<compile_context>
chip_gen: v7x
topology: tpu7x:2x2x1
jax: 0.10.2.dev20260603
libtpu: 0.0.44.dev20260713+nightly
codegen_flags: <defaults>
</compile_context>

<pallas_src>
import functools

import jax
import jax.numpy as jnp
from jax import lax
from jax.experimental import pallas as pl
from jax.experimental.pallas import tpu as pltpu
from jax.experimental.pallas import tpu_sc as plsc

N = 10000
E = 320000
D = 128
NC = 2
NS = 16
NW = NC * NS
EPW = 10240
CH = 128
NCH = EPW // CH
EP = NW * EPW
RPT = 632
NP = NS * RPT


def _sc_agg_body(with_cnt, y_hbm, edges_hbm, zacc_hbm,
                 sum_hbm, cnt_hbm,
                 src_v, dst_v, stage, ones_v, ctmp_v, acc_sh, cnt_sh,
                 gsem):
    c = lax.axis_index("c")
    s = lax.axis_index("s")
    wid = c * NS + s
    base = pl.multiple_of(s * RPT, 8)

    if with_cnt:
        for k in range(CH // 16):
            ones_v[pl.ds(k * 16, 16)] = jnp.ones((16,), jnp.float32)
        for k in range(RPT // 16 + 1):
            ctmp_v[pl.ds(k * 16, 16)] = jnp.zeros((16,), jnp.float32)

    pltpu.sync_copy(zacc_hbm.at[pl.ds(base, RPT)], acc_sh.at[pl.ds(base, RPT)])
    if with_cnt:
        pltpu.sync_copy(ctmp_v.at[pl.ds(0, RPT)], cnt_sh.at[pl.ds(base, RPT)])

    pltpu.sync_copy(edges_hbm.at[0, wid], src_v)
    pltpu.sync_copy(edges_hbm.at[1, wid], dst_v)
    plsc.subcore_barrier()

    def chunk(p, carry):
        for u in range(2):
            j = 2 * p + u
            pltpu.async_copy(y_hbm.at[src_v.at[j]], stage, gsem).wait()
            pltpu.sync_copy(stage, acc_sh.at[dst_v.at[j]], add=True)
            if with_cnt:
                pltpu.sync_copy(ones_v, cnt_sh.at[dst_v.at[j]], add=True)
        return carry
    lax.fori_loop(0, NCH // 2, chunk, 0)

    plsc.subcore_barrier()

    pltpu.sync_copy(acc_sh.at[pl.ds(base, RPT)],
                    sum_hbm.at[c, pl.ds(base, RPT)])
    if with_cnt:
        pltpu.sync_copy(cnt_sh.at[pl.ds(base, RPT)], ctmp_v.at[pl.ds(0, RPT)])
        pltpu.sync_copy(ctmp_v.at[pl.ds(0, RPT)],
                        cnt_hbm.at[pl.ds(c * NP + base, RPT)])


def _sc_agg(y, edges_r, zacc, with_cnt):
    mesh = plsc.VectorSubcoreMesh(core_axis_name="c", subcore_axis_name="s")
    cnt_elems = NC * NP if with_cnt else 8
    out = pl.kernel(
        functools.partial(_sc_agg_body, with_cnt),
        out_type=(jax.ShapeDtypeStruct((NC, NP, D), jnp.float32),
                  jax.ShapeDtypeStruct((cnt_elems,), jnp.float32)),
        mesh=mesh,
        scratch_types=[
            pltpu.VMEM((NCH, CH), jnp.int32),
            pltpu.VMEM((NCH, CH), jnp.int32),
            pltpu.VMEM((CH, D), jnp.float32),
            pltpu.VMEM((CH,), jnp.float32),
            pltpu.VMEM((RPT + 16,), jnp.float32),
            pltpu.VMEM_SHARED((NP, D), jnp.float32),
            pltpu.VMEM_SHARED((NP,), jnp.float32),
            pltpu.SemaphoreType.DMA,
        ],
    )(y, edges_r, zacc)
    return out


_BLK = 1000
_GRID = N // _BLK


def _tcy_body(x_ref, wl_ref, y_ref):
    y_ref[...] = jnp.dot(x_ref[...], wl_ref[...],
                         preferred_element_type=jnp.float32,
                         precision=lax.Precision.HIGHEST)


def _tcy(x, wl_t):
    return pl.pallas_call(
        _tcy_body,
        grid=(_GRID,),
        in_specs=[pl.BlockSpec((_BLK, D), lambda i: (i, 0)),
                  pl.BlockSpec((D, D), lambda i: (0, 0))],
        out_specs=pl.BlockSpec((_BLK, D), lambda i: (i, 0)),
        out_shape=jax.ShapeDtypeStruct((N, D), jnp.float32),
    )(x, wl_t)


def _tcr_body(x_ref, wr_ref, b_ref, r_ref):
    r_ref[...] = jnp.dot(x_ref[...], wr_ref[...],
                         preferred_element_type=jnp.float32,
                         precision=lax.Precision.HIGHEST) + b_ref[...]


def _tcr(x, wr_t, b):
    return pl.pallas_call(
        _tcr_body,
        grid=(_GRID,),
        in_specs=[pl.BlockSpec((_BLK, D), lambda i: (i, 0)),
                  pl.BlockSpec((D, D), lambda i: (0, 0)),
                  pl.BlockSpec((1, D), lambda i: (0, 0))],
        out_specs=pl.BlockSpec((_BLK, D), lambda i: (i, 0)),
        out_shape=jax.ShapeDtypeStruct((N, D), jnp.float32),
    )(x, wr_t, b)


def _tc2_body(sa_ref, sb_ref, ca_ref, cb_ref, x_ref, wl_ref, wr_ref, b_ref,
              h_ref):
    cnt = ca_ref[...] + cb_ref[...]
    mean = (sa_ref[...] + sb_ref[...]) / jnp.maximum(cnt, 1.0)
    z = (jnp.dot(mean, wl_ref[...], preferred_element_type=jnp.float32,
                 precision=lax.Precision.HIGHEST) + b_ref[...]
         + jnp.dot(x_ref[...], wr_ref[...], preferred_element_type=jnp.float32,
                   precision=lax.Precision.HIGHEST))
    h_ref[...] = jnp.maximum(z, 0.0)


def _tc2(sa, sb, ca, cb, x, wl_t, wr_t, b):
    return pl.pallas_call(
        _tc2_body,
        grid=(_GRID,),
        in_specs=[pl.BlockSpec((_BLK, D), lambda i: (i, 0)),
                  pl.BlockSpec((_BLK, D), lambda i: (i, 0)),
                  pl.BlockSpec((_BLK, 1), lambda i: (i, 0)),
                  pl.BlockSpec((_BLK, 1), lambda i: (i, 0)),
                  pl.BlockSpec((_BLK, D), lambda i: (i, 0)),
                  pl.BlockSpec((D, D), lambda i: (0, 0)),
                  pl.BlockSpec((D, D), lambda i: (0, 0)),
                  pl.BlockSpec((1, D), lambda i: (0, 0))],
        out_specs=pl.BlockSpec((_BLK, D), lambda i: (i, 0)),
        out_shape=jax.ShapeDtypeStruct((N, D), jnp.float32),
    )(sa, sb, ca, cb, x, wl_t, wr_t, b)


def _tc3_body(sa_ref, sb_ref, ca_ref, cb_ref, h_ref, wl_ref, wr_ref, b_ref,
              o_ref):
    cnt = ca_ref[...] + cb_ref[...]
    mean = (sa_ref[...] + sb_ref[...]) / jnp.maximum(cnt, 1.0)
    z = (jnp.dot(mean, wl_ref[...], preferred_element_type=jnp.float32,
                 precision=lax.Precision.HIGHEST) + b_ref[...]
         + jnp.dot(h_ref[...], wr_ref[...], preferred_element_type=jnp.float32,
                   precision=lax.Precision.HIGHEST))
    o_ref[...] = 1.0 / (1.0 + jnp.exp(-z))


def _tc3(sa, sb, ca, cb, h, wl_t, wr_t, b):
    return pl.pallas_call(
        _tc3_body,
        grid=(_GRID,),
        in_specs=[pl.BlockSpec((_BLK, D), lambda i: (i, 0)),
                  pl.BlockSpec((_BLK, D), lambda i: (i, 0)),
                  pl.BlockSpec((_BLK, 1), lambda i: (i, 0)),
                  pl.BlockSpec((_BLK, 1), lambda i: (i, 0)),
                  pl.BlockSpec((_BLK, D), lambda i: (i, 0)),
                  pl.BlockSpec((D, D), lambda i: (0, 0)),
                  pl.BlockSpec((D, D), lambda i: (0, 0)),
                  pl.BlockSpec((1, D), lambda i: (0, 0))],
        out_specs=pl.BlockSpec((_BLK, D), lambda i: (i, 0)),
        out_shape=jax.ShapeDtypeStruct((N, D), jnp.float32),
    )(sa, sb, ca, cb, h, wl_t, wr_t, b)


def kernel(x, edge_index, W1_l, b1, W1_r, W2_l, b2, W2_r):
    pad = EP - E
    pad_src = jnp.arange(pad, dtype=jnp.int32) % N
    pad_dst = N + jnp.arange(pad, dtype=jnp.int32) % (NP - N)
    src_r = jnp.concatenate([edge_index[0], pad_src]).reshape(NW, NCH, CH)
    dst_r = jnp.concatenate([edge_index[1], pad_dst]).reshape(NW, NCH, CH)
    edges_r = jnp.stack([src_r, dst_r])
    zacc = jnp.zeros((NP, D), jnp.float32)
    s1, cnt = _sc_agg(x, edges_r, zacc, True)
    ca = cnt[:NP].reshape(NP, 1)
    cb = cnt[NP:].reshape(NP, 1)
    h = _tc2(s1[0], s1[1], ca, cb, x, W1_l.T, W1_r.T, b1.reshape(1, D))
    s2, _cnt2 = _sc_agg(h, edges_r, zacc, False)
    return _tc3(s2[0], s2[1], ca, cb, h, W2_l.T, W2_r.T, b2.reshape(1, D))

# --- scband reference (transcript-rebuilt; emitter-appended) ---
"""Pipeline reference for scband-food-risk-gnn-18219251270415 (READ-ONLY COPY).

The authoritative reference and input builder live on the scoring server;
editing this copy changes nothing except your own understanding.
"""

import jax, jax.numpy as jnp
import numpy as np

N_NODES = 10000
N_EDGES = 320000
D_IN = 128
D_HID = 128
D_OUT = 128


def _sage_conv(x, edge_index, W_l, b_l, W_r, num_nodes):
    # PyG SAGEConv with aggr='mean': out = lin_l(mean_aggr(x[src] -> dst)) + lin_r(x)
    src = edge_index[0]
    dst = edge_index[1]
    msgs = jnp.take(x, src, axis=0)
    summed = jax.ops.segment_sum(msgs, dst, num_segments=num_nodes)
    counts = jax.ops.segment_sum(jnp.ones((msgs.shape[0],), dtype=x.dtype), dst, num_segments=num_nodes)
    mean = summed / jnp.clip(counts, 1.0)[:, None]
    out = mean @ W_l.T + b_l + x @ W_r.T
    return out


def setup_inputs(seed: int = 0) -> dict:
    key = jax.random.key(seed)
    ks = jax.random.split(key, 8)
    x = jax.random.normal(ks[0], (N_NODES, D_IN), dtype=jnp.float32)
    edge_index = jax.random.randint(ks[1], (2, N_EDGES), 0, N_NODES, dtype=jnp.int64 if jax.config.jax_enable_x64 else jnp.int32).astype(jnp.int32)
    s1 = 1.0 / np.sqrt(D_IN)
    s2 = 1.0 / np.sqrt(D_HID)
    W1_l = jax.random.uniform(ks[2], (D_HID, D_IN), minval=-s1, maxval=s1, dtype=jnp.float32)
    b1 = jax.random.uniform(ks[3], (D_HID,), minval=-s1, maxval=s1, dtype=jnp.float32)
    W1_r = jax.random.uniform(ks[4], (D_HID, D_IN), minval=-s1, maxval=s1, dtype=jnp.float32)
    W2_l = jax.random.uniform(ks[5], (D_OUT, D_HID), minval=-s2, maxval=s2, dtype=jnp.float32)
    b2 = jax.random.uniform(ks[6], (D_OUT,), minval=-s2, maxval=s2, dtype=jnp.float32)
    W2_r = jax.random.uniform(ks[7], (D_OUT, D_HID), minval=-s2, maxval=s2, dtype=jnp.float32)
    return {"x": x, "edge_index": edge_index, "W1_l": W1_l, "b1": b1, "W1_r": W1_r, "W2_l": W2_l, "b2": b2, "W2_r": W2_r}


def reference(x, edge_index, W1_l, b1, W1_r, W2_l, b2, W2_r):
    h = _sage_conv(x, edge_index, W1_l, b1, W1_r, N_NODES)
    h = jax.nn.relu(h)
    out = _sage_conv(h, edge_index, W2_l, b2, W2_r, N_NODES)
    return jax.nn.sigmoid(out)

if __name__ == "__main__":
    import jax
    _d = setup_inputs()
    print(jax.jit(kernel)(*tuple(_d.values())))

</pallas_src>

<mosaic_0001>
#map = affine_map<(d0, d1) -> (0, 0)>
#map1 = affine_map<(d0, d1) -> (0, 0, 0, 0)>
#map2 = affine_map<(d0, d1) -> (0, 0, 0)>
#map3 = affine_map<(d0, d1) -> (0)>
module attributes {stable_mosaic.version = 14 : i64} {
  func.func @_sc_agg_body(%arg0: i32, %arg1: i32, %arg2: memref<10000x128xf32, #tpu.memory_space<hbm>>, %arg3: memref<2x32x80x128xi32, #tpu.memory_space<hbm>>, %arg4: memref<10112x128xf32, #tpu.memory_space<hbm>>, %arg5: memref<2x10112x128xf32, #tpu.memory_space<hbm>>, %arg6: memref<20224xf32, #tpu.memory_space<hbm>>, %arg7: memref<80x128xi32, #tpu.memory_space<vmem>>, %arg8: memref<80x128xi32, #tpu.memory_space<vmem>>, %arg9: memref<128x128xf32, #tpu.memory_space<vmem>>, %arg10: memref<128xf32, #tpu.memory_space<vmem>>, %arg11: memref<648xf32, #tpu.memory_space<vmem>>, %arg12: memref<10112x128xf32, #tpu.memory_space<vmem_shared>>, %arg13: memref<10112xf32, #tpu.memory_space<vmem_shared>>, %arg14: memref<!tpu.dma_semaphore, #tpu.memory_space<semaphore_mem>>) attributes {dimension_semantics = [#tpu.dimension_semantics<core_parallel>, #tpu.dimension_semantics<subcore_parallel>], iteration_bounds = array<i64: 2, 16>, scalar_prefetch = 0 : i64, scratch_operands = 8 : i64, tpu.core_type = #tpu.core_type<sc_vector_subcore>, window_params = [{transform_indices = #map}, {transform_indices = #map1}, {transform_indices = #map}, {transform_indices = #map2}, {transform_indices = #map3}]} {
    %mul3A = arith.constant 16 : i32
    %mul3A_0 = arith.muli %arg0, %mul3A : i32
    %add3A = arith.addi %mul3A_0, %arg1 : i32
    %mul3A_1 = arith.constant 632 : i32
    %mul3A_2 = arith.muli %arg1, %mul3A_1 : i32
    %multiple_of3A = tpu.assume_multiple %mul3A_2, 8 : i32
    %broadcast_in_dim3A = arith.constant 1.000000e+00 : f32
    %broadcast_in_dim3A_3 = vector.broadcast %broadcast_in_dim3A : f32 to vector<16xf32>
    %swap3A = arith.constant 0 : index
    %swap3A_4 = tpu.vector_load %arg10[%swap3A] {strides = array<i32>} : memref<128xf32, #tpu.memory_space<vmem>>, vector<16xf32>,
    %swap3A_5 = vector.shape_cast %swap3A_4 : vector<16xf32> to vector<16xf32>
    %swap3A_6 = vector.shape_cast %broadcast_in_dim3A_3 : vector<16xf32> to vector<16xf32>
    tpu.vector_store %arg10[%swap3A], %swap3A_6 {strides = array<i32>} : memref<128xf32, #tpu.memory_space<vmem>>, vector<16xf32>,
    %broadcast_in_dim3A_7 = arith.constant 1.000000e+00 : f32
    %broadcast_in_dim3A_8 = vector.broadcast %broadcast_in_dim3A_7 : f32 to vector<16xf32>
    %swap3A_9 = arith.constant 16 : index
    %swap3A_10 = tpu.vector_load %arg10[%swap3A_9] {strides = array<i32>} : memref<128xf32, #tpu.memory_space<vmem>>, vector<16xf32>,
    %swap3A_11 = vector.shape_cast %swap3A_10 : vector<16xf32> to vector<16xf32>
    %swap3A_12 = vector.shape_cast %broadcast_in_dim3A_8 : vector<16xf32> to vector<16xf32>
    tpu.vector_store %arg10[%swap3A_9], %swap3A_12 {strides = array<i32>} : memref<128xf32, #tpu.memory_space<vmem>>, vector<16xf32>,
    %broadcast_in_dim3A_13 = arith.constant 1.000000e+00 : f32
    %broadcast_in_dim3A_14 = vector.broadcast %broadcast_in_dim3A_13 : f32 to vector<16xf32>
    %swap3A_15 = arith.constant 32 : index
    %swap3A_16 = tpu.vector_load %arg10[%swap3A_15] {strides = array<i32>} : memref<128xf32, #tpu.memory_space<vmem>>, vector<16xf32>,
    %swap3A_17 = vector.shape_cast %swap3A_16 : vector<16xf32> to vector<16xf32>
    %swap3A_18 = vector.shape_cast %broadcast_in_dim3A_14 : vector<16xf32> to vector<16xf32>
    tpu.vector_store %arg10[%swap3A_15], %swap3A_18 {strides = array<i32>} : memref<128xf32, #tpu.memory_space<vmem>>, vector<16xf32>,
    %broadcast_in_dim3A_19 = arith.constant 1.000000e+00 : f32
    %broadcast_in_dim3A_20 = vector.broadcast %broadcast_in_dim3A_19 : f32 to vector<16xf32>
    %swap3A_21 = arith.constant 48 : index
    %swap3A_22 = tpu.vector_load %arg10[%swap3A_21] {strides = array<i32>} : memref<128xf32, #tpu.memory_space<vmem>>, vector<16xf32>,
    %swap3A_23 = vector.shape_cast %swap3A_22 : vector<16xf32> to vector<16xf32>
    %swap3A_24 = vector.shape_cast %broadcast_in_dim3A_20 : vector<16xf32> to vector<16xf32>
    tpu.vector_store %arg10[%swap3A_21], %swap3A_24 {strides = array<i32>} : memref<128xf32, #tpu.memory_space<vmem>>, vector<16xf32>,
    %broadcast_in_dim3A_25 = arith.constant 1.000000e+00 : f32
    %broadcast_in_dim3A_26 = vector.broadcast %broadcast_in_dim3A_25 : f32 to vector<16xf32>
    %swap3A_27 = arith.constant 64 : index
    %swap3A_28 = tpu.vector_load %arg10[%swap3A_27] {strides = array<i32>} : memref<128xf32, #tpu.memory_space<vmem>>, vector<16xf32>,
    %swap3A_29 = vector.shape_cast %swap3A_28 : vector<16xf32> to vector<16xf32>
    %swap3A_30 = vector.shape_cast %broadcast_in_dim3A_26 : vector<16xf32> to vector<16xf32>
    tpu.vector_store %arg10[%swap3A_27], %swap3A_30 {strides = array<i32>} : memref<128xf32, #tpu.memory_space<vmem>>, vector<16xf32>,
    %broadcast_in_dim3A_31 = arith.constant 1.000000e+00 : f32
    %broadcast_in_dim3A_32 = vector.broadcast %broadcast_in_dim3A_31 : f32 to vector<16xf32>
    %swap3A_33 = arith.constant 80 : index
    %swap3A_34 = tpu.vector_load %arg10[%swap3A_33] {strides = array<i32>} : memref<128xf32, #tpu.memory_space<vmem>>, vector<16xf32>,
    %swap3A_35 = vector.shape_cast %swap3A_34 : vector<16xf32> to vector<16xf32>
    %swap3A_36 = vector.shape_cast %broadcast_in_dim3A_32 : vector<16xf32> to vector<16xf32>
    tpu.vector_store %arg10[%swap3A_33], %swap3A_36 {strides = array<i32>} : memref<128xf32, #tpu.memory_space<vmem>>, vector<16xf32>,
    %broadcast_in_dim3A_37 = arith.constant 1.000000e+00 : f32
    %broadcast_in_dim3A_38 = vector.broadcast %broadcast_in_dim3A_37 : f32 to vector<16xf32>
    %swap3A_39 = arith.constant 96 : index
    %swap3A_40 = tpu.vector_load %arg10[%swap3A_39] {strides = array<i32>} : memref<128xf32, #tpu.memory_space<vmem>>, vector<16xf32>,
    %swap3A_41 = vector.shape_cast %swap3A_40 : vector<16xf32> to vector<16xf32>
    %swap3A_42 = vector.shape_cast %broadcast_in_dim3A_38 : vector<16xf32> to vector<16xf32>
    tpu.vector_store %arg10[%swap3A_39], %swap3A_42 {strides = array<i32>} : memref<128xf32, #tpu.memory_space<vmem>>, vector<16xf32>,
    %broadcast_in_dim3A_43 = arith.constant 1.000000e+00 : f32
    %broadcast_in_dim3A_44 = vector.broadcast %broadcast_in_dim3A_43 : f32 to vector<16xf32>
    %swap3A_45 = arith.constant 112 : index
    %swap3A_46 = tpu.vector_load %arg10[%swap3A_45] {strides = array<i32>} : memref<128xf32, #tpu.memory_space<vmem>>, vector<16xf32>,
    %swap3A_47 = vector.shape_cast %swap3A_46 : vector<16xf32> to vector<16xf32>
    %swap3A_48 = vector.shape_cast %broadcast_in_dim3A_44 : vector<16xf32> to vector<16xf32>
    tpu.vector_store %arg10[%swap3A_45], %swap3A_48 {strides = array<i32>} : memref<128xf32, #tpu.memory_space<vmem>>, vector<16xf32>,
    %broadcast_in_dim3A_49 = arith.constant 0.000000e+00 : f32
    %broadcast_in_dim3A_50 = vector.broadcast %broadcast_in_dim3A_49 : f32 to vector<16xf32>
    %swap3A_51 = arith.constant 0 : index
    %swap3A_52 = tpu.vector_load %arg11[%swap3A_51] {strides = array<i32>} : memref<648xf32, #tpu.memory_space<vmem>>, vector<16xf32>,
    %swap3A_53 = vector.shape_cast %swap3A_52 : vector<16xf32> to vector<16xf32>
    %swap3A_54 = vector.shape_cast %broadcast_in_dim3A_50 : vector<16xf32> to vector<16xf32>
    tpu.vector_store %arg11[%swap3A_51], %swap3A_54 {strides = array<i32>} : memref<648xf32, #tpu.memory_space<vmem>>, vector<16xf32>,
    %broadcast_in_dim3A_55 = arith.constant 0.000000e+00 : f32
    %broadcast_in_dim3A_56 = vector.broadcast %broadcast_in_dim3A_55 : f32 to vector<16xf32>
    %swap3A_57 = arith.constant 16 : index
    %swap3A_58 = tpu.vector_load %arg11[%swap3A_57] {strides = array<i32>} : memref<648xf32, #tpu.memory_space<vmem>>, vector<16xf32>,
    %swap3A_59 = vector.shape_cast %swap3A_58 : vector<16xf32> to vector<16xf32>
    %swap3A_60 = vector.shape_cast %broadcast_in_dim3A_56 : vector<16xf32> to vector<16xf32>
    tpu.vector_store %arg11[%swap3A_57], %swap3A_60 {strides = array<i32>} : memref<648xf32, #tpu.memory_space<vmem>>, vector<16xf32>,
    %broadcast_in_dim3A_61 = arith.constant 0.000000e+00 : f32
    %broadcast_in_dim3A_62 = vector.broadcast %broadcast_in_dim3A_61 : f32 to vector<16xf32>
    %swap3A_63 = arith.constant 32 : index
    %swap3A_64 = tpu.vector_load %arg11[%swap3A_63] {strides = array<i32>} : memref<648xf32, #tpu.memory_space<vmem>>, vector<16xf32>,
    %swap3A_65 = vector.shape_cast %swap3A_64 : vector<16xf32> to vector<16xf32>
    %swap3A_66 = vector.shape_cast %broadcast_in_dim3A_62 : vector<16xf32> to vector<16xf32>
    tpu.vector_store %arg11[%swap3A_63], %swap3A_66 {strides = array<i32>} : memref<648xf32, #tpu.memory_space<vmem>>, vector<16xf32>,
    %broadcast_in_dim3A_67 = arith.constant 0.000000e+00 : f32
    %broadcast_in_dim3A_68 = vector.broadcast %broadcast_in_dim3A_67 : f32 to vector<16xf32>
    %swap3A_69 = arith.constant 48 : index
    %swap3A_70 = tpu.vector_load %arg11[%swap3A_69] {strides = array<i32>} : memref<648xf32, #tpu.memory_space<vmem>>, vector<16xf32>,
    %swap3A_71 = vector.shape_cast %swap3A_70 : vector<16xf32> to vector<16xf32>
    %swap3A_72 = vector.shape_cast %broadcast_in_dim3A_68 : vector<16xf32> to vector<16xf32>
    tpu.vector_store %arg11[%swap3A_69], %swap3A_72 {strides = array<i32>} : memref<648xf32, #tpu.memory_space<vmem>>, vector<16xf32>,
    %broadcast_in_dim3A_73 = arith.constant 0.000000e+00 : f32
    %broadcast_in_dim3A_74 = vector.broadcast %broadcast_in_dim3A_73 : f32 to vector<16xf32>
    %swap3A_75 = arith.constant 64 : index
    %swap3A_76 = tpu.vector_load %arg11[%swap3A_75] {strides = array<i32>} : memref<648xf32, #tpu.memory_space<vmem>>, vector<16xf32>,
    %swap3A_77 = vector.shape_cast %swap3A_76 : vector<16xf32> to vector<16xf32>
    %swap3A_78 = vector.shape_cast %broadcast_in_dim3A_74 : vector<16xf32> to vector<16xf32>
    tpu.vector_store %arg11[%swap3A_75], %swap3A_78 {strides = array<i32>} : memref<648xf32, #tpu.memory_space<vmem>>, vector<16xf32>,
    %broadcast_in_dim3A_79 = arith.constant 0.000000e+00 : f32
    %broadcast_in_dim3A_80 = vector.broadcast %broadcast_in_dim3A_79 : f32 to vector<16xf32>
    %swap3A_81 = arith.constant 80 : index
    %swap3A_82 = tpu.vector_load %arg11[%swap3A_81] {strides = array<i32>} : memref<648xf32, #tpu.memory_space<vmem>>, vector<16xf32>,
    %swap3A_83 = vector.shape_cast %swap3A_82 : vector<16xf32> to vector<16xf32>
    %swap3A_84 = vector.shape_cast %broadcast_in_dim3A_80 : vector<16xf32> to vector<16xf32>
    tpu.vector_store %arg11[%swap3A_81], %swap3A_84 {strides = array<i32>} : memref<648xf32, #tpu.memory_space<vmem>>, vector<16xf32>,
    %broadcast_in_dim3A_85 = arith.constant 0.000000e+00 : f32
    %broadcast_in_dim3A_86 = vector.broadcast %broadcast_in_dim3A_85 : f32 to vector<16xf32>
    %swap3A_87 = arith.constant 96 : index
    %swap3A_88 = tpu.vector_load %arg11[%swap3A_87] {strides = array<i32>} : memref<648xf32, #tpu.memory_space<vmem>>, vector<16xf32>,
    %swap3A_89 = vector.shape_cast %swap3A_88 : vector<16xf32> to vector<16xf32>
    %swap3A_90 = vector.shape_cast %broadcast_in_dim3A_86 : vector<16xf32> to vector<16xf32>
    tpu.vector_store %arg11[%swap3A_87], %swap3A_90 {strides = array<i32>} : memref<648xf32, #tpu.memory_space<vmem>>, vector<16xf32>,
    %broadcast_in_dim3A_91 = arith.constant 0.000000e+00 : f32
    %broadcast_in_dim3A_92 = vector.broadcast %broadcast_in_dim3A_91 : f32 to vector<16xf32>
    %swap3A_93 = arith.constant 112 : index
    %swap3A_94 = tpu.vector_load %arg11[%swap3A_93] {strides = array<i32>} : memref<648xf32, #tpu.memory_space<vmem>>, vector<16xf32>,
    %swap3A_95 = vector.shape_cast %swap3A_94 : vector<16xf32> to vector<16xf32>
    %swap3A_96 = vector.shape_cast %broadcast_in_dim3A_92 : vector<16xf32> to vector<16xf32>
    tpu.vector_store %arg11[%swap3A_93], %swap3A_96 {strides = array<i32>} : memref<648xf32, #tpu.memory_space<vmem>>, vector<16xf32>,
    %broadcast_in_dim3A_97 = arith.constant 0.000000e+00 : f32
    %broadcast_in_dim3A_98 = vector.broadcast %broadcast_in_dim3A_97 : f32 to vector<16xf32>
    %swap3A_99 = arith.constant 128 : index
    %swap3A_100 = tpu.vector_load %arg11[%swap3A_99] {strides = array<i32>} : memref<648xf32, #tpu.memory_space<vmem>>, vector<16xf32>,
    %swap3A_101 = vector.shape_cast %swap3A_100 : vector<16xf32> to vector<16xf32>
    %swap3A_102 = vector.shape_cast %broadcast_in_dim3A_98 : vector<16xf32> to vector<16xf32>
    tpu.vector_store %arg11[%swap3A_99], %swap3A_102 {strides = array<i32>} : memref<648xf32, #tpu.memory_space<vmem>>, vector<16xf32>,
    %broadcast_in_dim3A_103 = arith.constant 0.000000e+00 : f32
    %broadcast_in_dim3A_104 = vector.broadcast %broadcast_in_dim3A_103 : f32 to vector<16xf32>
    %swap3A_105 = arith.constant 144 : index
    %swap3A_106 = tpu.vector_load %arg11[%swap3A_105] {strides = array<i32>} : memref<648xf32, #tpu.memory_space<vmem>>, vector<16xf32>,
    %swap3A_107 = vector.shape_cast %swap3A_106 : vector<16xf32> to vector<16xf32>
    %swap3A_108 = vector.shape_cast %broadcast_in_dim3A_104 : vector<16xf32> to vector<16xf32>
    tpu.vector_store %arg11[%swap3A_105], %swap3A_108 {strides = array<i32>} : memref<648xf32, #tpu.memory_space<vmem>>, vector<16xf32>,
    %broadcast_in_dim3A_109 = arith.constant 0.000000e+00 : f32
    %broadcast_in_dim3A_110 = vector.broadcast %broadcast_in_dim3A_109 : f32 to vector<16xf32>
    %swap3A_111 = arith.constant 160 : index
    %swap3A_112 = tpu.vector_load %arg11[%swap3A_111] {strides = array<i32>} : memref<648xf32, #tpu.memory_space<vmem>>, vector<16xf32>,
    %swap3A_113 = vector.shape_cast %swap3A_112 : vector<16xf32> to vector<16xf32>
    %swap3A_114 = vector.shape_cast %broadcast_in_dim3A_110 : vector<16xf32> to vector<16xf32>
    tpu.vector_store %arg11[%swap3A_111], %swap3A_114 {strides = array<i32>} : memref<648xf32, #tpu.memory_space<vmem>>, vector<16xf32>,
    %broadcast_in_dim3A_115 = arith.constant 0.000000e+00 : f32
    %broadcast_in_dim3A_116 = vector.broadcast %broadcast_in_dim3A_115 : f32 to vector<16xf32>
    %swap3A_117 = arith.constant 176 : index
    %swap3A_118 = tpu.vector_load %arg11[%swap3A_117] {strides = array<i32>} : memref<648xf32, #tpu.memory_space<vmem>>, vector<16xf32>,
    %swap3A_119 = vector.shape_cast %swap3A_118 : vector<16xf32> to vector<16xf32>
    %swap3A_120 = vector.shape_cast %broadcast_in_dim3A_116 : vector<16xf32> to vector<16xf32>
    tpu.vector_store %arg11[%swap3A_117], %swap3A_120 {strides = array<i32>} : memref<648xf32, #tpu.memory_space<vmem>>, vector<16xf32>,
    %broadcast_in_dim3A_121 = arith.constant 0.000000e+00 : f32
    %broadcast_in_dim3A_122 = vector.broadcast %broadcast_in_dim3A_121 : f32 to vector<16xf32>
    %swap3A_123 = arith.constant 192 : index
    %swap3A_124 = tpu.vector_load %arg11[%swap3A_123] {strides = array<i32>} : memref<648xf32, #tpu.memory_space<vmem>>, vector<16xf32>,
    %swap3A_125 = vector.shape_cast %swap3A_124 : vector<16xf32> to vector<16xf32>
    %swap3A_126 = vector.shape_cast %broadcast_in_dim3A_122 : vector<16xf32> to vector<16xf32>
    tpu.vector_store %arg11[%swap3A_123], %swap3A_126 {strides = array<i32>} : memref<648xf32, #tpu.memory_space<vmem>>, vector<16xf32>,
    %broadcast_in_dim3A_127 = arith.constant 0.000000e+00 : f32
    %broadcast_in_dim3A_128 = vector.broadcast %broadcast_in_dim3A_127 : f32 to vector<16xf32>
    %swap3A_129 = arith.constant 208 : index
    %swap3A_130 = tpu.vector_load %arg11[%swap3A_129] {strides = array<i32>} : memref<648xf32, #tpu.memory_space<vmem>>, vector<16xf32>,
    %swap3A_131 = vector.shape_cast %swap3A_130 : vector<16xf32> to vector<16xf32>
    %swap3A_132 = vector.shape_cast %broadcast_in_dim3A_128 : vector<16xf32> to vector<16xf32>
    tpu.vector_store %arg11[%swap3A_129], %swap3A_132 {strides = array<i32>} : memref<648xf32, #tpu.memory_space<vmem>>, vector<16xf32>,
    %broadcast_in_dim3A_133 = arith.constant 0.000000e+00 : f32
    %broadcast_in_dim3A_134 = vector.broadcast %broadcast_in_dim3A_133 : f32 to vector<16xf32>
    %swap3A_135 = arith.constant 224 : index
    %swap3A_136 = tpu.vector_load %arg11[%swap3A_135] {strides = array<i32>} : memref<648xf32, #tpu.memory_space<vmem>>, vector<16xf32>,
    %swap3A_137 = vector.shape_cast %swap3A_136 : vector<16xf32> to vector<16xf32>
    %swap3A_138 = vector.shape_cast %broadcast_in_dim3A_134 : vector<16xf32> to vector<16xf32>
    tpu.vector_store %arg11[%swap3A_135], %swap3A_138 {strides = array<i32>} : memref<648xf32, #tpu.memory_space<vmem>>, vector<16xf32>,
    %broadcast_in_dim3A_139 = arith.constant 0.000000e+00 : f32
    %broadcast_in_dim3A_140 = vector.broadcast %broadcast_in_dim3A_139 : f32 to vector<16xf32>
    %swap3A_141 = arith.constant 240 : index
    %swap3A_142 = tpu.vector_load %arg11[%swap3A_141] {strides = array<i32>} : memref<648xf32, #tpu.memory_space<vmem>>, vector<16xf32>,
    %swap3A_143 = vector.shape_cast %swap3A_142 : vector<16xf32> to vector<16xf32>
    %swap3A_144 = vector.shape_cast %broadcast_in_dim3A_140 : vector<16xf32> to vector<16xf32>
    tpu.vector_store %arg11[%swap3A_141], %swap3A_144 {strides = array<i32>} : memref<648xf32, #tpu.memory_space<vmem>>, vector<16xf32>,
    %broadcast_in_dim3A_145 = arith.constant 0.000000e+00 : f32
    %broadcast_in_dim3A_146 = vector.broadcast %broadcast_in_dim3A_145 : f32 to vector<16xf32>
    %swap3A_147 = arith.constant 256 : index
    %swap3A_148 = tpu.vector_load %arg11[%swap3A_147] {strides = array<i32>} : memref<648xf32, #tpu.memory_space<vmem>>, vector<16xf32>,
    %swap3A_149 = vector.shape_cast %swap3A_148 : vector<16xf32> to vector<16xf32>
    %swap3A_150 = vector.shape_cast %broadcast_in_dim3A_146 : vector<16xf32> to vector<16xf32>
    tpu.vector_store %arg11[%swap3A_147], %swap3A_150 {strides = array<i32>} : memref<648xf32, #tpu.memory_space<vmem>>, vector<16xf32>,
    %broadcast_in_dim3A_151 = arith.constant 0.000000e+00 : f32
    %broadcast_in_dim3A_152 = vector.broadcast %broadcast_in_dim3A_151 : f32 to vector<16xf32>
    %swap3A_153 = arith.constant 272 : index
    %swap3A_154 = tpu.vector_load %arg11[%swap3A_153] {strides = array<i32>} : memref<648xf32, #tpu.memory_space<vmem>>, vector<16xf32>,
    %swap3A_155 = vector.shape_cast %swap3A_154 : vector<16xf32> to vector<16xf32>
    %swap3A_156 = vector.shape_cast %broadcast_in_dim3A_152 : vector<16xf32> to vector<16xf32>
    tpu.vector_store %arg11[%swap3A_153], %swap3A_156 {strides = array<i32>} : memref<648xf32, #tpu.memory_space<vmem>>, vector<16xf32>,
    %broadcast_in_dim3A_157 = arith.constant 0.000000e+00 : f32
    %broadcast_in_dim3A_158 = vector.broadcast %broadcast_in_dim3A_157 : f32 to vector<16xf32>
    %swap3A_159 = arith.constant 288 : index
    %swap3A_160 = tpu.vector_load %arg11[%swap3A_159] {strides = array<i32>} : memref<648xf32, #tpu.memory_space<vmem>>, vector<16xf32>,
    %swap3A_161 = vector.shape_cast %swap3A_160 : vector<16xf32> to vector<16xf32>
    %swap3A_162 = vector.shape_cast %broadcast_in_dim3A_158 : vector<16xf32> to vector<16xf32>
    tpu.vector_store %arg11[%swap3A_159], %swap3A_162 {strides = array<i32>} : memref<648xf32, #tpu.memory_space<vmem>>, vector<16xf32>,
    %broadcast_in_dim3A_163 = arith.constant 0.000000e+00 : f32
    %broadcast_in_dim3A_164 = vector.broadcast %broadcast_in_dim3A_163 : f32 to vector<16xf32>
    %swap3A_165 = arith.constant 304 : index
    %swap3A_166 = tpu.vector_load %arg11[%swap3A_165] {strides = array<i32>} : memref<648xf32, #tpu.memory_space<vmem>>, vector<16xf32>,
    %swap3A_167 = vector.shape_cast %swap3A_166 : vector<16xf32> to vector<16xf32>
    %swap3A_168 = vector.shape_cast %broadcast_in_dim3A_164 : vector<16xf32> to vector<16xf32>
    tpu.vector_store %arg11[%swap3A_165], %swap3A_168 {strides = array<i32>} : memref<648xf32, #tpu.memory_space<vmem>>, vector<16xf32>,
    %broadcast_in_dim3A_169 = arith.constant 0.000000e+00 : f32
    %broadcast_in_dim3A_170 = vector.broadcast %broadcast_in_dim3A_169 : f32 to vector<16xf32>
    %swap3A_171 = arith.constant 320 : index
    %swap3A_172 = tpu.vector_load %arg11[%swap3A_171] {strides = array<i32>} : memref<648xf32, #tpu.memory_space<vmem>>, vector<16xf32>,
    %swap3A_173 = vector.shape_cast %swap3A_172 : vector<16xf32> to vector<16xf32>
    %swap3A_174 = vector.shape_cast %broadcast_in_dim3A_170 : vector<16xf32> to vector<16xf32>
    tpu.vector_store %arg11[%swap3A_171], %swap3A_174 {strides = array<i32>} : memref<648xf32, #tpu.memory_space<vmem>>, vector<16xf32>,
    %broadcast_in_dim3A_175 = arith.constant 0.000000e+00 : f32
    %broadcast_in_dim3A_176 = vector.broadcast %broadcast_in_dim3A_175 : f32 to vector<16xf32>
    %swap3A_177 = arith.constant 336 : index
    %swap3A_178 = tpu.vector_load %arg11[%swap3A_177] {strides = array<i32>} : memref<648xf32, #tpu.memory_space<vmem>>, vector<16xf32>,
    %swap3A_179 = vector.shape_cast %swap3A_178 : vector<16xf32> to vector<16xf32>
    %swap3A_180 = vector.shape_cast %broadcast_in_dim3A_176 : vector<16xf32> to vector<16xf32>
    tpu.vector_store %arg11[%swap3A_177], %swap3A_180 {strides = array<i32>} : memref<648xf32, #tpu.memory_space<vmem>>, vector<16xf32>,
    %broadcast_in_dim3A_181 = arith.constant 0.000000e+00 : f32
    %broadcast_in_dim3A_182 = vector.broadcast %broadcast_in_dim3A_181 : f32 to vector<16xf32>
    %swap3A_183 = arith.constant 352 : index
    %swap3A_184 = tpu.vector_load %arg11[%swap3A_183] {strides = array<i32>} : memref<648xf32, #tpu.memory_space<vmem>>, vector<16xf32>,
    %swap3A_185 = vector.shape_cast %swap3A_184 : vector<16xf32> to vector<16xf32>
    %swap3A_186 = vector.shape_cast %broadcast_in_dim3A_182 : vector<16xf32> to vector<16xf32>
    tpu.vector_store %arg11[%swap3A_183], %swap3A_186 {strides = array<i32>} : memref<648xf32, #tpu.memory_space<vmem>>, vector<16xf32>,
    %broadcast_in_dim3A_187 = arith.constant 0.000000e+00 : f32
    %broadcast_in_dim3A_188 = vector.broadcast %broadcast_in_dim3A_187 : f32 to vector<16xf32>
    %swap3A_189 = arith.constant 368 : index
    %swap3A_190 = tpu.vector_load %arg11[%swap3A_189] {strides = array<i32>} : memref<648xf32, #tpu.memory_space<vmem>>, vector<16xf32>,
    %swap3A_191 = vector.shape_cast %swap3A_190 : vector<16xf32> to vector<16xf32>
    %swap3A_192 = vector.shape_cast %broadcast_in_dim3A_188 : vector<16xf32> to vector<16xf32>
    tpu.vector_store %arg11[%swap3A_189], %swap3A_192 {strides = array<i32>} : memref<648xf32, #tpu.memory_space<vmem>>, vector<16xf32>,
    %broadcast_in_dim3A_193 = arith.constant 0.000000e+00 : f32
    %broadcast_in_dim3A_194 = vector.broadcast %broadcast_in_dim3A_193 : f32 to vector<16xf32>
    %swap3A_195 = arith.constant 384 : index
    %swap3A_196 = tpu.vector_load %arg11[%swap3A_195] {strides = array<i32>} : memref<648xf32, #tpu.memory_space<vmem>>, vector<16xf32>,
    %swap3A_197 = vector.shape_cast %swap3A_196 : vector<16xf32> to vector<16xf32>
    %swap3A_198 = vector.shape_cast %broadcast_in_dim3A_194 : vector<16xf32> to vector<16xf32>
    tpu.vector_store %arg11[%swap3A_195], %swap3A_198 {strides = array<i32>} : memref<648xf32, #tpu.memory_space<vmem>>, vector<16xf32>,
    %broadcast_in_dim3A_199 = arith.constant 0.000000e+00 : f32
    %broadcast_in_dim3A_200 = vector.broadcast %broadcast_in_dim3A_199 : f32 to vector<16xf32>
    %swap3A_201 = arith.constant 400 : index
    %swap3A_202 = tpu.vector_load %arg11[%swap3A_201] {strides = array<i32>} : memref<648xf32, #tpu.memory_space<vmem>>, vector<16xf32>,
    %swap3A_203 = vector.shape_cast %swap3A_202 : vector<16xf32> to vector<16xf32>
    %swap3A_204 = vector.shape_cast %broadcast_in_dim3A_200 : vector<16xf32> to vector<16xf32>
    tpu.vector_store %arg11[%swap3A_201], %swap3A_204 {strides = array<i32>} : memref<648xf32, #tpu.memory_space<vmem>>, vector<16xf32>,
    %broadcast_in_dim3A_205 = arith.constant 0.000000e+00 : f32
    %broadcast_in_dim3A_206 = vector.broadcast %broadcast_in_dim3A_205 : f32 to vector<16xf32>
    %swap3A_207 = arith.constant 416 : index
    %swap3A_208 = tpu.vector_load %arg11[%swap3A_207] {strides = array<i32>} : memref<648xf32, #tpu.memory_space<vmem>>, vector<16xf32>,
    %swap3A_209 = vector.shape_cast %swap3A_208 : vector<16xf32> to vector<16xf32>
    %swap3A_210 = vector.shape_cast %broadcast_in_dim3A_206 : vector<16xf32> to vector<16xf32>
    tpu.vector_store %arg11[%swap3A_207], %swap3A_210 {strides = array<i32>} : memref<648xf32, #tpu.memory_space<vmem>>, vector<16xf32>,
    %broadcast_in_dim3A_211 = arith.constant 0.000000e+00 : f32
    %broadcast_in_dim3A_212 = vector.broadcast %broadcast_in_dim3A_211 : f32 to vector<16xf32>
    %swap3A_213 = arith.constant 432 : index
    %swap3A_214 = tpu.vector_load %arg11[%swap3A_213] {strides = array<i32>} : memref<648xf32, #tpu.memory_space<vmem>>, vector<16xf32>,
    %swap3A_215 = vector.shape_cast %swap3A_214 : vector<16xf32> to vector<16xf32>
    %swap3A_216 = vector.shape_cast %broadcast_in_dim3A_212 : vector<16xf32> to vector<16xf32>
    tpu.vector_store %arg11[%swap3A_213], %swap3A_216 {strides = array<i32>} : memref<648xf32, #tpu.memory_space<vmem>>, vector<16xf32>,
    %broadcast_in_dim3A_217 = arith.constant 0.000000e+00 : f32
    %broadcast_in_dim3A_218 = vector.broadcast %broadcast_in_dim3A_217 : f32 to vector<16xf32>
    %swap3A_219 = arith.constant 448 : index
    %swap3A_220 = tpu.vector_load %arg11[%swap3A_219] {strides = array<i32>} : memref<648xf32, #tpu.memory_space<vmem>>, vector<16xf32>,
    %swap3A_221 = vector.shape_cast %swap3A_220 : vector<16xf32> to vector<16xf32>
    %swap3A_222 = vector.shape_cast %broadcast_in_dim3A_218 : vector<16xf32> to vector<16xf32>
    tpu.vector_store %arg11[%swap3A_219], %swap3A_222 {strides = array<i32>} : memref<648xf32, #tpu.memory_space<vmem>>, vector<16xf32>,
    %broadcast_in_dim3A_223 = arith.constant 0.000000e+00 : f32
    %broadcast_in_dim3A_224 = vector.broadcast %broadcast_in_dim3A_223 : f32 to vector<16xf32>
    %swap3A_225 = arith.constant 464 : index
    %swap3A_226 = tpu.vector_load %arg11[%swap3A_225] {strides = array<i32>} : memref<648xf32, #tpu.memory_space<vmem>>, vector<16xf32>,
    %swap3A_227 = vector.shape_cast %swap3A_226 : vector<16xf32> to vector<16xf32>
    %swap3A_228 = vector.shape_cast %broadcast_in_dim3A_224 : vector<16xf32> to vector<16xf32>
    tpu.vector_store %arg11[%swap3A_225], %swap3A_228 {strides = array<i32>} : memref<648xf32, #tpu.memory_space<vmem>>, vector<16xf32>,
    %broadcast_in_dim3A_229 = arith.constant 0.000000e+00 : f32
    %broadcast_in_dim3A_230 = vector.broadcast %broadcast_in_dim3A_229 : f32 to vector<16xf32>
    %swap3A_231 = arith.constant 480 : index
    %swap3A_232 = tpu.vector_load %arg11[%swap3A_231] {strides = array<i32>} : memref<648xf32, #tpu.memory_space<vmem>>, vector<16xf32>,
    %swap3A_233 = vector.shape_cast %swap3A_232 : vector<16xf32> to vector<16xf32>
    %swap3A_234 = vector.shape_cast %broadcast_in_dim3A_230 : vector<16xf32> to vector<16xf32>
    tpu.vector_store %arg11[%swap3A_231], %swap3A_234 {strides = array<i32>} : memref<648xf32, #tpu.memory_space<vmem>>, vector<16xf32>,
    %broadcast_in_dim3A_235 = arith.constant 0.000000e+00 : f32
    %broadcast_in_dim3A_236 = vector.broadcast %broadcast_in_dim3A_235 : f32 to vector<16xf32>
    %swap3A_237 = arith.constant 496 : index
    %swap3A_238 = tpu.vector_load %arg11[%swap3A_237] {strides = array<i32>} : memref<648xf32, #tpu.memory_space<vmem>>, vector<16xf32>,
    %swap3A_239 = vector.shape_cast %swap3A_238 : vector<16xf32> to vector<16xf32>
    %swap3A_240 = vector.shape_cast %broadcast_in_dim3A_236 : vector<16xf32> to vector<16xf32>
    tpu.vector_store %arg11[%swap3A_237], %swap3A_240 {strides = array<i32>} : memref<648xf32, #tpu.memory_space<vmem>>, vector<16xf32>,
    %broadcast_in_dim3A_241 = arith.constant 0.000000e+00 : f32
    %broadcast_in_dim3A_242 = vector.broadcast %broadcast_in_dim3A_241 : f32 to vector<16xf32>
    %swap3A_243 = arith.constant 512 : index
    %swap3A_244 = tpu.vector_load %arg11[%swap3A_243] {strides = array<i32>} : memref<648xf32, #tpu.memory_space<vmem>>, vector<16xf32>,
    %swap3A_245 = vector.shape_cast %swap3A_244 : vector<16xf32> to vector<16xf32>
    %swap3A_246 = vector.shape_cast %broadcast_in_dim3A_242 : vector<16xf32> to vector<16xf32>
    tpu.vector_store %arg11[%swap3A_243], %swap3A_246 {strides = array<i32>} : memref<648xf32, #tpu.memory_space<vmem>>, vector<16xf32>,
    %broadcast_in_dim3A_247 = arith.constant 0.000000e+00 : f32
    %broadcast_in_dim3A_248 = vector.broadcast %broadcast_in_dim3A_247 : f32 to vector<16xf32>
    %swap3A_249 = arith.constant 528 : index
    %swap3A_250 = tpu.vector_load %arg11[%swap3A_249] {strides = array<i32>} : memref<648xf32, #tpu.memory_space<vmem>>, vector<16xf32>,
    %swap3A_251 = vector.shape_cast %swap3A_250 : vector<16xf32> to vector<16xf32>
    %swap3A_252 = vector.shape_cast %broadcast_in_dim3A_248 : vector<16xf32> to vector<16xf32>
    tpu.vector_store %arg11[%swap3A_249], %swap3A_252 {strides = array<i32>} : memref<648xf32, #tpu.memory_space<vmem>>, vector<16xf32>,
    %broadcast_in_dim3A_253 = arith.constant 0.000000e+00 : f32
    %broadcast_in_dim3A_254 = vector.broadcast %broadcast_in_dim3A_253 : f32 to vector<16xf32>
    %swap3A_255 = arith.constant 544 : index
    %swap3A_256 = tpu.vector_load %arg11[%swap3A_255] {strides = array<i32>} : memref<648xf32, #tpu.memory_space<vmem>>, vector<16xf32>,
    %swap3A_257 = vector.shape_cast %swap3A_256 : vector<16xf32> to vector<16xf32>
    %swap3A_258 = vector.shape_cast %broadcast_in_dim3A_254 : vector<16xf32> to vector<16xf32>
    tpu.vector_store %arg11[%swap3A_255], %swap3A_258 {strides = array<i32>} : memref<648xf32, #tpu.memory_space<vmem>>, vector<16xf32>,
    %broadcast_in_dim3A_259 = arith.constant 0.000000e+00 : f32
    %broadcast_in_dim3A_260 = vector.broadcast %broadcast_in_dim3A_259 : f32 to vector<16xf32>
    %swap3A_261 = arith.constant 560 : index
    %swap3A_262 = tpu.vector_load %arg11[%swap3A_261] {strides = array<i32>} : memref<648xf32, #tpu.memory_space<vmem>>, vector<16xf32>,
    %swap3A_263 = vector.shape_cast %swap3A_262 : vector<16xf32> to vector<16xf32>
    %swap3A_264 = vector.shape_cast %broadcast_in_dim3A_260 : vector<16xf32> to vector<16xf32>
    tpu.vector_store %arg11[%swap3A_261], %swap3A_264 {strides = array<i32>} : memref<648xf32, #tpu.memory_space<vmem>>, vector<16xf32>,
    %broadcast_in_dim3A_265 = arith.constant 0.000000e+00 : f32
    %broadcast_in_dim3A_266 = vector.broadcast %broadcast_in_dim3A_265 : f32 to vector<16xf32>
    %swap3A_267 = arith.constant 576 : index
    %swap3A_268 = tpu.vector_load %arg11[%swap3A_267] {strides = array<i32>} : memref<648xf32, #tpu.memory_space<vmem>>, vector<16xf32>,
    %swap3A_269 = vector.shape_cast %swap3A_268 : vector<16xf32> to vector<16xf32>
    %swap3A_270 = vector.shape_cast %broadcast_in_dim3A_266 : vector<16xf32> to vector<16xf32>
    tpu.vector_store %arg11[%swap3A_267], %swap3A_270 {strides = array<i32>} : memref<648xf32, #tpu.memory_space<vmem>>, vector<16xf32>,
    %broadcast_in_dim3A_271 = arith.constant 0.000000e+00 : f32
    %broadcast_in_dim3A_272 = vector.broadcast %broadcast_in_dim3A_271 : f32 to vector<16xf32>
    %swap3A_273 = arith.constant 592 : index
    %swap3A_274 = tpu.vector_load %arg11[%swap3A_273] {strides = array<i32>} : memref<648xf32, #tpu.memory_space<vmem>>, vector<16xf32>,
    %swap3A_275 = vector.shape_cast %swap3A_274 : vector<16xf32> to vector<16xf32>
    %swap3A_276 = vector.shape_cast %broadcast_in_dim3A_272 : vector<16xf32> to vector<16xf32>
    tpu.vector_store %arg11[%swap3A_273], %swap3A_276 {strides = array<i32>} : memref<648xf32, #tpu.memory_space<vmem>>, vector<16xf32>,
    %broadcast_in_dim3A_277 = arith.constant 0.000000e+00 : f32
    %broadcast_in_dim3A_278 = vector.broadcast %broadcast_in_dim3A_277 : f32 to vector<16xf32>
    %swap3A_279 = arith.constant 608 : index
    %swap3A_280 = tpu.vector_load %arg11[%swap3A_279] {strides = array<i32>} : memref<648xf32, #tpu.memory_space<vmem>>, vector<16xf32>,
    %swap3A_281 = vector.shape_cast %swap3A_280 : vector<16xf32> to vector<16xf32>
    %swap3A_282 = vector.shape_cast %broadcast_in_dim3A_278 : vector<16xf32> to vector<16xf32>
    tpu.vector_store %arg11[%swap3A_279], %swap3A_282 {strides = array<i32>} : memref<648xf32, #tpu.memory_space<vmem>>, vector<16xf32>,
    %broadcast_in_dim3A_283 = arith.constant 0.000000e+00 : f32
    %broadcast_in_dim3A_284 = vector.broadcast %broadcast_in_dim3A_283 : f32 to vector<16xf32>
    %swap3A_285 = arith.constant 624 : index
    %swap3A_286 = tpu.vector_load %arg11[%swap3A_285] {strides = array<i32>} : memref<648xf32, #tpu.memory_space<vmem>>, vector<16xf32>,
    %swap3A_287 = vector.shape_cast %swap3A_286 : vector<16xf32> to vector<16xf32>
    %swap3A_288 = vector.shape_cast %broadcast_in_dim3A_284 : vector<16xf32> to vector<16xf32>
    tpu.vector_store %arg11[%swap3A_285], %swap3A_288 {strides = array<i32>} : memref<648xf32, #tpu.memory_space<vmem>>, vector<16xf32>,
    "tpu.region"() ({
      %run_scoped3A_299 = tpu.sem_alloc : memref<!tpu.dma_semaphore, #tpu.memory_space<semaphore_mem>>
      %dma_start3A = arith.constant 0 : i32
      %dma_start3A_300 = tpu.memref_slice %arg12[%multiple_of3A, %dma_start3A] : memref<10112x128xf32, #tpu.memory_space<vmem_shared>> -> memref<632x128xf32, #tpu.memory_space<vmem_shared>>
      %dma_start3A_301 = arith.constant 0 : i32
      %dma_start3A_302 = tpu.memref_slice %arg4[%multiple_of3A, %dma_start3A_301] : memref<10112x128xf32, #tpu.memory_space<hbm>> -> memref<632x128xf32, #tpu.memory_space<hbm>>
      tpu.enqueue_dma source(%dma_start3A_302 : memref<632x128xf32, #tpu.memory_space<hbm>>) target(%dma_start3A_300 : memref<632x128xf32, #tpu.memory_space<vmem_shared>>) target_semaphore(%run_scoped3A_299 : memref<!tpu.dma_semaphore, #tpu.memory_space<semaphore_mem>>)
      %dma_wait3A = arith.constant 0 : i32
      %dma_wait3A_303 = tpu.memref_slice %arg12[%multiple_of3A, %dma_wait3A] : memref<10112x128xf32, #tpu.memory_space<vmem_shared>> -> memref<632x128xf32, #tpu.memory_space<vmem_shared>>
      %dma_wait3A_304 = arith.constant 0 : i32
      %dma_wait3A_305 = tpu.memref_slice %arg4[%multiple_of3A, %dma_wait3A_304] : memref<10112x128xf32, #tpu.memory_space<hbm>> -> memref<632x128xf32, #tpu.memory_space<hbm>>
      tpu.wait_dma2 semaphore(%run_scoped3A_299 : memref<!tpu.dma_semaphore, #tpu.memory_space<semaphore_mem>>) src(%dma_wait3A_305 : memref<632x128xf32, #tpu.memory_space<hbm>>) dst(%dma_wait3A_303 : memref<632x128xf32, #tpu.memory_space<vmem_shared>>)
      tpu.yield
    }) : () -> ()
    "tpu.region"() ({
      %run_scoped3A_299 = tpu.sem_alloc : memref<!tpu.dma_semaphore, #tpu.memory_space<semaphore_mem>>
      %dma_start3A = arith.constant 0 : i32
      %dma_start3A_300 = tpu.memref_slice %arg11[%dma_start3A] : memref<648xf32, #tpu.memory_space<vmem>> -> memref<632xf32, #tpu.memory_space<vmem>>
      %dma_start3A_301 = tpu.memref_slice %arg13[%multiple_of3A] : memref<10112xf32, #tpu.memory_space<vmem_shared>> -> memref<632xf32, #tpu.memory_space<vmem_shared>>
      %dma_start3A_302 = tpu.memref_slice %arg13[%multiple_of3A] : memref<10112xf32, #tpu.memory_space<vmem_shared>> -> memref<632xf32, #tpu.memory_space<vmem_shared>>
      %dma_start3A_303 = arith.constant 0 : i32
      %dma_start3A_304 = tpu.memref_slice %arg11[%dma_start3A_303] : memref<648xf32, #tpu.memory_space<vmem>> -> memref<632xf32, #tpu.memory_space<vmem>>
      tpu.enqueue_dma source(%dma_start3A_304 : memref<632xf32, #tpu.memory_space<vmem>>) target(%dma_start3A_302 : memref<632xf32, #tpu.memory_space<vmem_shared>>) target_semaphore(%run_scoped3A_299 : memref<!tpu.dma_semaphore, #tpu.memory_space<semaphore_mem>>)
      %dma_wait3A = arith.constant 0 : i32
      %dma_wait3A_305 = tpu.memref_slice %arg11[%dma_wait3A] : memref<648xf32, #tpu.memory_space<vmem>> -> memref<632xf32, #tpu.memory_space<vmem>>
      %dma_wait3A_306 = tpu.memref_slice %arg13[%multiple_of3A] : memref<10112xf32, #tpu.memory_space<vmem_shared>> -> memref<632xf32, #tpu.memory_space<vmem_shared>>
      %dma_wait3A_307 = tpu.memref_slice %arg13[%multiple_of3A] : memref<10112xf32, #tpu.memory_space<vmem_shared>> -> memref<632xf32, #tpu.memory_space<vmem_shared>>
      %dma_wait3A_308 = arith.constant 0 : i32
      %dma_wait3A_309 = tpu.memref_slice %arg11[%dma_wait3A_308] : memref<648xf32, #tpu.memory_space<vmem>> -> memref<632xf32, #tpu.memory_space<vmem>>
      tpu.wait_dma2 semaphore(%run_scoped3A_299 : memref<!tpu.dma_semaphore, #tpu.memory_space<semaphore_mem>>) src(%dma_wait3A_309 : memref<632xf32, #tpu.memory_space<vmem>>) dst(%dma_wait3A_307 : memref<632xf32, #tpu.memory_space<vmem_shared>>)
      tpu.yield
    }) : () -> ()
    %run_scoped3A = arith.constant 0 : i32
    "tpu.region"() ({
      %run_scoped3A_299 = tpu.sem_alloc : memref<!tpu.dma_semaphore, #tpu.memory_space<semaphore_mem>>
      %dma_start3A = arith.constant 0 : i32
      %dma_start3A_300 = arith.constant 0 : i32
      %dma_start3A_301 = tpu.memref_slice %arg3[%run_scoped3A, %add3A, %dma_start3A, %dma_start3A_300] : memref<2x32x80x128xi32, #tpu.memory_space<hbm>> -> memref<1x1x80x128xi32, #tpu.memory_space<hbm>>
      %dma_start3A_302 = tpu.memref_squeeze %dma_start3A_301 : memref<1x1x80x128xi32, #tpu.memory_space<hbm>> -> memref<80x128xi32, #tpu.memory_space<hbm>>
      %dma_start3A_303 = arith.constant 0 : i32
      %dma_start3A_304 = arith.constant 0 : i32
      %dma_start3A_305 = tpu.memref_slice %arg3[%run_scoped3A, %add3A, %dma_start3A_303, %dma_start3A_304] : memref<2x32x80x128xi32, #tpu.memory_space<hbm>> -> memref<1x1x80x128xi32, #tpu.memory_space<hbm>>
      %dma_start3A_306 = tpu.memref_squeeze %dma_start3A_305 : memref<1x1x80x128xi32, #tpu.memory_space<hbm>> -> memref<80x128xi32, #tpu.memory_space<hbm>>
      tpu.enqueue_dma source(%dma_start3A_306 : memref<80x128xi32, #tpu.memory_space<hbm>>) target(%arg7 : memref<80x128xi32, #tpu.memory_space<vmem>>) target_semaphore(%run_scoped3A_299 : memref<!tpu.dma_semaphore, #tpu.memory_space<semaphore_mem>>)
      %dma_wait3A = arith.constant 0 : i32
      %dma_wait3A_307 = arith.constant 0 : i32
      %dma_wait3A_308 = tpu.memref_slice %arg3[%run_scoped3A, %add3A, %dma_wait3A, %dma_wait3A_307] : memref<2x32x80x128xi32, #tpu.memory_space<hbm>> -> memref<1x1x80x128xi32, #tpu.memory_space<hbm>>
      %dma_wait3A_309 = tpu.memref_squeeze %dma_wait3A_308 : memref<1x1x80x128xi32, #tpu.memory_space<hbm>> -> memref<80x128xi32, #tpu.memory_space<hbm>>
      %dma_wait3A_310 = arith.constant 0 : i32
      %dma_wait3A_311 = arith.constant 0 : i32
      %dma_wait3A_312 = tpu.memref_slice %arg3[%run_scoped3A, %add3A, %dma_wait3A_310, %dma_wait3A_311] : memref<2x32x80x128xi32, #tpu.memory_space<hbm>> -> memref<1x1x80x128xi32, #tpu.memory_space<hbm>>
      %dma_wait3A_313 = tpu.memref_squeeze %dma_wait3A_312 : memref<1x1x80x128xi32, #tpu.memory_space<hbm>> -> memref<80x128xi32, #tpu.memory_space<hbm>>
      tpu.wait_dma2 semaphore(%run_scoped3A_299 : memref<!tpu.dma_semaphore, #tpu.memory_space<semaphore_mem>>) src(%dma_wait3A_313 : memref<80x128xi32, #tpu.memory_space<hbm>>) dst(%arg7 : memref<80x128xi32, #tpu.memory_space<vmem>>)
      tpu.yield
    }) : () -> ()
    %run_scoped3A_289 = arith.constant 1 : i32
    "tpu.region"() ({
      %run_scoped3A_299 = tpu.sem_alloc : memref<!tpu.dma_semaphore, #tpu.memory_space<semaphore_mem>>
      %dma_start3A = arith.constant 0 : i32
      %dma_start3A_300 = arith.constant 0 : i32
      %dma_start3A_301 = tpu.memref_slice %arg3[%run_scoped3A_289, %add3A, %dma_start3A, %dma_start3A_300] : memref<2x32x80x128xi32, #tpu.memory_space<hbm>> -> memref<1x1x80x128xi32, #tpu.memory_space<hbm>>
      %dma_start3A_302 = tpu.memref_squeeze %dma_start3A_301 : memref<1x1x80x128xi32, #tpu.memory_space<hbm>> -> memref<80x128xi32, #tpu.memory_space<hbm>>
      %dma_start3A_303 = arith.constant 0 : i32
      %dma_start3A_304 = arith.constant 0 : i32
      %dma_start3A_305 = tpu.memref_slice %arg3[%run_scoped3A_289, %add3A, %dma_start3A_303, %dma_start3A_304] : memref<2x32x80x128xi32, #tpu.memory_space<hbm>> -> memref<1x1x80x128xi32, #tpu.memory_space<hbm>>
      %dma_start3A_306 = tpu.memref_squeeze %dma_start3A_305 : memref<1x1x80x128xi32, #tpu.memory_space<hbm>> -> memref<80x128xi32, #tpu.memory_space<hbm>>
      tpu.enqueue_dma source(%dma_start3A_306 : memref<80x128xi32, #tpu.memory_space<hbm>>) target(%arg8 : memref<80x128xi32, #tpu.memory_space<vmem>>) target_semaphore(%run_scoped3A_299 : memref<!tpu.dma_semaphore, #tpu.memory_space<semaphore_mem>>)
      %dma_wait3A = arith.constant 0 : i32
      %dma_wait3A_307 = arith.constant 0 : i32
      %dma_wait3A_308 = tpu.memref_slice %arg3[%run_scoped3A_289, %add3A, %dma_wait3A, %dma_wait3A_307] : memref<2x32x80x128xi32, #tpu.memory_space<hbm>> -> memref<1x1x80x128xi32, #tpu.memory_space<hbm>>
      %dma_wait3A_309 = tpu.memref_squeeze %dma_wait3A_308 : memref<1x1x80x128xi32, #tpu.memory_space<hbm>> -> memref<80x128xi32, #tpu.memory_space<hbm>>
      %dma_wait3A_310 = arith.constant 0 : i32
      %dma_wait3A_311 = arith.constant 0 : i32
      %dma_wait3A_312 = tpu.memref_slice %arg3[%run_scoped3A_289, %add3A, %dma_wait3A_310, %dma_wait3A_311] : memref<2x32x80x128xi32, #tpu.memory_space<hbm>> -> memref<1x1x80x128xi32, #tpu.memory_space<hbm>>
      %dma_wait3A_313 = tpu.memref_squeeze %dma_wait3A_312 : memref<1x1x80x128xi32, #tpu.memory_space<hbm>> -> memref<80x128xi32, #tpu.memory_space<hbm>>
      tpu.wait_dma2 semaphore(%run_scoped3A_299 : memref<!tpu.dma_semaphore, #tpu.memory_space<semaphore_mem>>) src(%dma_wait3A_313 : memref<80x128xi32, #tpu.memory_space<hbm>>) dst(%arg8 : memref<80x128xi32, #tpu.memory_space<vmem>>)
      tpu.yield
    }) : () -> ()
    %barrier3A = arith.constant 0 : index
    tpu.barrier barrier_id(%barrier3A)
    %scan3A = arith.constant 0 : i32
    %scan3A_290 = arith.constant 0 : i32
    %scan3A_291 = arith.constant 40 : i32
    %scan3A_292 = arith.addi %scan3A_290, %scan3A_291 : i32
    %scan3A_293 = arith.constant 1 : i32
    scf.for %scan3A_299 = %scan3A_290 to %scan3A_292 step %scan3A_293  : i32 {
      %mul3A_300 = arith.constant 2 : i32
      %mul3A_301 = arith.muli %mul3A_300, %scan3A_299 : i32
      %add3A_302 = arith.constant 0 : i32
      %add3A_303 = arith.addi %mul3A_301, %add3A_302 : i32
      %dma_start3A = arith.constant 0 : i32
      %dma_start3A_304 = tpu.memref_slice %arg7[%add3A_303, %dma_start3A] : memref<80x128xi32, #tpu.memory_space<vmem>> -> memref<1x128xi32, #tpu.memory_space<vmem>>
      %dma_start3A_305 = tpu.memref_squeeze %dma_start3A_304 : memref<1x128xi32, #tpu.memory_space<vmem>> -> memref<128xi32, #tpu.memory_space<vmem>>
      %dma_start3A_306 = arith.constant 0 : i32
      %dma_start3A_307 = arith.constant 0 : i32
      %dma_start3A_308 = tpu.memref_slice %arg2[%dma_start3A_306, %dma_start3A_307] : memref<10000x128xf32, #tpu.memory_space<hbm>> -> memref<10000x128xf32, #tpu.memory_space<hbm>>
      tpu.enqueue_indirect_dma source(%dma_start3A_308 : memref<10000x128xf32, #tpu.memory_space<hbm>>) target(%arg9 : memref<128x128xf32, #tpu.memory_space<vmem>>) offsets(%dma_start3A_305 : memref<128xi32, #tpu.memory_space<vmem>>) semaphore(%arg14 : memref<!tpu.dma_semaphore, #tpu.memory_space<semaphore_mem>>)
      %dma_wait3A = arith.constant 0 : i32
      %dma_wait3A_309 = tpu.memref_slice %arg7[%add3A_303, %dma_wait3A] : memref<80x128xi32, #tpu.memory_space<vmem>> -> memref<1x128xi32, #tpu.memory_space<vmem>>
      %dma_wait3A_310 = tpu.memref_squeeze %dma_wait3A_309 : memref<1x128xi32, #tpu.memory_space<vmem>> -> memref<128xi32, #tpu.memory_space<vmem>>
      %dma_wait3A_311 = arith.constant 0 : i32
      %dma_wait3A_312 = arith.constant 0 : i32
      %dma_wait3A_313 = tpu.memref_slice %arg2[%dma_wait3A_311, %dma_wait3A_312] : memref<10000x128xf32, #tpu.memory_space<hbm>> -> memref<10000x128xf32, #tpu.memory_space<hbm>>
      tpu.wait_indirect_dma semaphore(%arg14 : memref<!tpu.dma_semaphore, #tpu.memory_space<semaphore_mem>>) src(%dma_wait3A_313 : memref<10000x128xf32, #tpu.memory_space<hbm>>) dst(%arg9 : memref<128x128xf32, #tpu.memory_space<vmem>>)
      "tpu.region"() ({
        %run_scoped3A_330 = tpu.sem_alloc : memref<!tpu.dma_semaphore, #tpu.memory_space<semaphore_mem>>
        %dma_start3A_331 = arith.constant 0 : i32
        %dma_start3A_332 = tpu.memref_slice %arg8[%add3A_303, %dma_start3A_331] : memref<80x128xi32, #tpu.memory_space<vmem>> -> memref<1x128xi32, #tpu.memory_space<vmem>>
        %dma_start3A_333 = tpu.memref_squeeze %dma_start3A_332 : memref<1x128xi32, #tpu.memory_space<vmem>> -> memref<128xi32, #tpu.memory_space<vmem>>
        %dma_start3A_334 = arith.constant 0 : i32
        %dma_start3A_335 = arith.constant 0 : i32
        %dma_start3A_336 = tpu.memref_slice %arg12[%dma_start3A_334, %dma_start3A_335] : memref<10112x128xf32, #tpu.memory_space<vmem_shared>> -> memref<10112x128xf32, #tpu.memory_space<vmem_shared>>
        tpu.enqueue_indirect_dma source(%arg9 : memref<128x128xf32, #tpu.memory_space<vmem>>) target(%dma_start3A_336 : memref<10112x128xf32, #tpu.memory_space<vmem_shared>>) offsets(%dma_start3A_333 : memref<128xi32, #tpu.memory_space<vmem>>) semaphore(%run_scoped3A_330 : memref<!tpu.dma_semaphore, #tpu.memory_space<semaphore_mem>>) {add = true}
        %dma_wait3A_337 = arith.constant 0 : i32
        %dma_wait3A_338 = tpu.memref_slice %arg8[%add3A_303, %dma_wait3A_337] : memref<80x128xi32, #tpu.memory_space<vmem>> -> memref<1x128xi32, #tpu.memory_space<vmem>>
        %dma_wait3A_339 = tpu.memref_squeeze %dma_wait3A_338 : memref<1x128xi32, #tpu.memory_space<vmem>> -> memref<128xi32, #tpu.memory_space<vmem>>
        %dma_wait3A_340 = arith.constant 0 : i32
        %dma_wait3A_341 = arith.constant 0 : i32
        %dma_wait3A_342 = tpu.memref_slice %arg12[%dma_wait3A_340, %dma_wait3A_341] : memref<10112x128xf32, #tpu.memory_space<vmem_shared>> -> memref<10112x128xf32, #tpu.memory_space<vmem_shared>>
        tpu.wait_indirect_dma semaphore(%run_scoped3A_330 : memref<!tpu.dma_semaphore, #tpu.memory_space<semaphore_mem>>) src(%arg9 : memref<128x128xf32, #tpu.memory_space<vmem>>) dst(%dma_wait3A_342 : memref<10112x128xf32, #tpu.memory_space<vmem_shared>>)
        tpu.yield
      }) : () -> ()
      "tpu.region"() ({
        %run_scoped3A_330 = tpu.sem_alloc : memref<!tpu.dma_semaphore, #tpu.memory_space<semaphore_mem>>
        %dma_start3A_331 = arith.constant 0 : i32
        %dma_start3A_332 = tpu.memref_slice %arg8[%add3A_303, %dma_start3A_331] : memref<80x128xi32, #tpu.memory_space<vmem>> -> memref<1x128xi32, #tpu.memory_space<vmem>>
        %dma_start3A_333 = tpu.memref_squeeze %dma_start3A_332 : memref<1x128xi32, #tpu.memory_space<vmem>> -> memref<128xi32, #tpu.memory_space<vmem>>
        %dma_start3A_334 = arith.constant 0 : i32
        %dma_start3A_335 = tpu.memref_slice %arg13[%dma_start3A_334] : memref<10112xf32, #tpu.memory_space<vmem_shared>> -> memref<10112xf32, #tpu.memory_space<vmem_shared>>
        tpu.enqueue_indirect_dma source(%arg10 : memref<128xf32, #tpu.memory_space<vmem>>) target(%dma_start3A_335 : memref<10112xf32, #tpu.memory_space<vmem_shared>>) offsets(%dma_start3A_333 : memref<128xi32, #tpu.memory_space<vmem>>) semaphore(%run_scoped3A_330 : memref<!tpu.dma_semaphore, #tpu.memory_space<semaphore_mem>>) {add = true}
        %dma_wait3A_336 = arith.constant 0 : i32
        %dma_wait3A_337 = tpu.memref_slice %arg8[%add3A_303, %dma_wait3A_336] : memref<80x128xi32, #tpu.memory_space<vmem>> -> memref<1x128xi32, #tpu.memory_space<vmem>>
        %dma_wait3A_338 = tpu.memref_squeeze %dma_wait3A_337 : memref<1x128xi32, #tpu.memory_space<vmem>> -> memref<128xi32, #tpu.memory_space<vmem>>
        %dma_wait3A_339 = arith.constant 0 : i32
        %dma_wait3A_340 = tpu.memref_slice %arg13[%dma_wait3A_339] : memref<10112xf32, #tpu.memory_space<vmem_shared>> -> memref<10112xf32, #tpu.memory_space<vmem_shared>>
        tpu.wait_indirect_dma semaphore(%run_scoped3A_330 : memref<!tpu.dma_semaphore, #tpu.memory_space<semaphore_mem>>) src(%arg10 : memref<128xf32, #tpu.memory_space<vmem>>) dst(%dma_wait3A_340 : memref<10112xf32, #tpu.memory_space<vmem_shared>>)
        tpu.yield
      }) : () -> ()
      %mul3A_314 = arith.constant 2 : i32
      %mul3A_315 = arith.muli %mul3A_314, %scan3A_299 : i32
      %add3A_316 = arith.constant 1 : i32
      %add3A_317 = arith.addi %mul3A_315, %add3A_316 : i32
      %dma_start3A_318 = arith.constant 0 : i32
      %dma_start3A_319 = tpu.memref_slice %arg7[%add3A_317, %dma_start3A_318] : memref<80x128xi32, #tpu.memory_space<vmem>> -> memref<1x128xi32, #tpu.memory_space<vmem>>
      %dma_start3A_320 = tpu.memref_squeeze %dma_start3A_319 : memref<1x128xi32, #tpu.memory_space<vmem>> -> memref<128xi32, #tpu.memory_space<vmem>>
      %dma_start3A_321 = arith.constant 0 : i32
      %dma_start3A_322 = arith.constant 0 : i32
      %dma_start3A_323 = tpu.memref_slice %arg2[%dma_start3A_321, %dma_start3A_322] : memref<10000x128xf32, #tpu.memory_space<hbm>> -> memref<10000x128xf32, #tpu.memory_space<hbm>>
      tpu.enqueue_indirect_dma source(%dma_start3A_323 : memref<10000x128xf32, #tpu.memory_space<hbm>>) target(%arg9 : memref<128x128xf32, #tpu.memory_space<vmem>>) offsets(%dma_start3A_320 : memref<128xi32, #tpu.memory_space<vmem>>) semaphore(%arg14 : memref<!tpu.dma_semaphore, #tpu.memory_space<semaphore_mem>>)
      %dma_wait3A_324 = arith.constant 0 : i32
      %dma_wait3A_325 = tpu.memref_slice %arg7[%add3A_317, %dma_wait3A_324] : memref<80x128xi32, #tpu.memory_space<vmem>> -> memref<1x128xi32, #tpu.memory_space<vmem>>
      %dma_wait3A_326 = tpu.memref_squeeze %dma_wait3A_325 : memref<1x128xi32, #tpu.memory_space<vmem>> -> memref<128xi32, #tpu.memory_space<vmem>>
      %dma_wait3A_327 = arith.constant 0 : i32
      %dma_wait3A_328 = arith.constant 0 : i32
      %dma_wait3A_329 = tpu.memref_slice %arg2[%dma_wait3A_327, %dma_wait3A_328] : memref<10000x128xf32, #tpu.memory_space<hbm>> -> memref<10000x128xf32, #tpu.memory_space<hbm>>
      tpu.wait_indirect_dma semaphore(%arg14 : memref<!tpu.dma_semaphore, #tpu.memory_space<semaphore_mem>>) src(%dma_wait3A_329 : memref<10000x128xf32, #tpu.memory_space<hbm>>) dst(%arg9 : memref<128x128xf32, #tpu.memory_space<vmem>>)
      "tpu.region"() ({
        %run_scoped3A_330 = tpu.sem_alloc : memref<!tpu.dma_semaphore, #tpu.memory_space<semaphore_mem>>
        %dma_start3A_331 = arith.constant 0 : i32
        %dma_start3A_332 = tpu.memref_slice %arg8[%add3A_317, %dma_start3A_331] : memref<80x128xi32, #tpu.memory_space<vmem>> -> memref<1x128xi32, #tpu.memory_space<vmem>>
        %dma_start3A_333 = tpu.memref_squeeze %dma_start3A_332 : memref<1x128xi32, #tpu.memory_space<vmem>> -> memref<128xi32, #tpu.memory_space<vmem>>
        %dma_start3A_334 = arith.constant 0 : i32
        %dma_start3A_335 = arith.constant 0 : i32
        %dma_start3A_336 = tpu.memref_slice %arg12[%dma_start3A_334, %dma_start3A_335] : memref<10112x128xf32, #tpu.memory_space<vmem_shared>> -> memref<10112x128xf32, #tpu.memory_space<vmem_shared>>
        tpu.enqueue_indirect_dma source(%arg9 : memref<128x128xf32, #tpu.memory_space<vmem>>) target(%dma_start3A_336 : memref<10112x128xf32, #tpu.memory_space<vmem_shared>>) offsets(%dma_start3A_333 : memref<128xi32, #tpu.memory_space<vmem>>) semaphore(%run_scoped3A_330 : memref<!tpu.dma_semaphore, #tpu.memory_space<semaphore_mem>>) {add = true}
        %dma_wait3A_337 = arith.constant 0 : i32
        %dma_wait3A_338 = tpu.memref_slice %arg8[%add3A_317, %dma_wait3A_337] : memref<80x128xi32, #tpu.memory_space<vmem>> -> memref<1x128xi32, #tpu.memory_space<vmem>>
        %dma_wait3A_339 = tpu.memref_squeeze %dma_wait3A_338 : memref<1x128xi32, #tpu.memory_space<vmem>> -> memref<128xi32, #tpu.memory_space<vmem>>
        %dma_wait3A_340 = arith.constant 0 : i32
        %dma_wait3A_341 = arith.constant 0 : i32
        %dma_wait3A_342 = tpu.memref_slice %arg12[%dma_wait3A_340, %dma_wait3A_341] : memref<10112x128xf32, #tpu.memory_space<vmem_shared>> -> memref<10112x128xf32, #tpu.memory_space<vmem_shared>>
        tpu.wait_indirect_dma semaphore(%run_scoped3A_330 : memref<!tpu.dma_semaphore, #tpu.memory_space<semaphore_mem>>) src(%arg9 : memref<128x128xf32, #tpu.memory_space<vmem>>) dst(%dma_wait3A_342 : memref<10112x128xf32, #tpu.memory_space<vmem_shared>>)
        tpu.yield
      }) : () -> ()
      "tpu.region"() ({
        %run_scoped3A_330 = tpu.sem_alloc : memref<!tpu.dma_semaphore, #tpu.memory_space<semaphore_mem>>
        %dma_start3A_331 = arith.constant 0 : i32
        %dma_start3A_332 = tpu.memref_slice %arg8[%add3A_317, %dma_start3A_331] : memref<80x128xi32, #tpu.memory_space<vmem>> -> memref<1x128xi32, #tpu.memory_space<vmem>>
        %dma_start3A_333 = tpu.memref_squeeze %dma_start3A_332 : memref<1x128xi32, #tpu.memory_space<vmem>> -> memref<128xi32, #tpu.memory_space<vmem>>
        %dma_start3A_334 = arith.constant 0 : i32
        %dma_start3A_335 = tpu.memref_slice %arg13[%dma_start3A_334] : memref<10112xf32, #tpu.memory_space<vmem_shared>> -> memref<10112xf32, #tpu.memory_space<vmem_shared>>
        tpu.enqueue_indirect_dma source(%arg10 : memref<128xf32, #tpu.memory_space<vmem>>) target(%dma_start3A_335 : memref<10112xf32, #tpu.memory_space<vmem_shared>>) offsets(%dma_start3A_333 : memref<128xi32, #tpu.memory_space<vmem>>) semaphore(%run_scoped3A_330 : memref<!tpu.dma_semaphore, #tpu.memory_space<semaphore_mem>>) {add = true}
        %dma_wait3A_336 = arith.constant 0 : i32
        %dma_wait3A_337 = tpu.memref_slice %arg8[%add3A_317, %dma_wait3A_336] : memref<80x128xi32, #tpu.memory_space<vmem>> -> memref<1x128xi32, #tpu.memory_space<vmem>>
        %dma_wait3A_338 = tpu.memref_squeeze %dma_wait3A_337 : memref<1x128xi32, #tpu.memory_space<vmem>> -> memref<128xi32, #tpu.memory_space<vmem>>
        %dma_wait3A_339 = arith.constant 0 : i32
        %dma_wait3A_340 = tpu.memref_slice %arg13[%dma_wait3A_339] : memref<10112xf32, #tpu.memory_space<vmem_shared>> -> memref<10112xf32, #tpu.memory_space<vmem_shared>>
        tpu.wait_indirect_dma semaphore(%run_scoped3A_330 : memref<!tpu.dma_semaphore, #tpu.memory_space<semaphore_mem>>) src(%arg10 : memref<128xf32, #tpu.memory_space<vmem>>) dst(%dma_wait3A_340 : memref<10112xf32, #tpu.memory_space<vmem_shared>>)
        tpu.yield
      }) : () -> ()
    }
    %scan3A_294 = arith.constant 40 : i32
    %barrier3A_295 = arith.constant 0 : index
    tpu.barrier barrier_id(%barrier3A_295)
    "tpu.region"() ({
      %run_scoped3A_299 = tpu.sem_alloc : memref<!tpu.dma_semaphore, #tpu.memory_space<semaphore_mem>>
      %dma_start3A = arith.constant 0 : i32
      %dma_start3A_300 = tpu.memref_slice %arg5[%arg0, %multiple_of3A, %dma_start3A] : memref<2x10112x128xf32, #tpu.memory_space<hbm>> -> memref<1x632x128xf32, #tpu.memory_space<hbm>>
      %dma_start3A_301 = tpu.memref_squeeze %dma_start3A_300 : memref<1x632x128xf32, #tpu.memory_space<hbm>> -> memref<632x128xf32, #tpu.memory_space<hbm>>
      %dma_start3A_302 = arith.constant 0 : i32
      %dma_start3A_303 = tpu.memref_slice %arg12[%multiple_of3A, %dma_start3A_302] : memref<10112x128xf32, #tpu.memory_space<vmem_shared>> -> memref<632x128xf32, #tpu.memory_space<vmem_shared>>
      tpu.enqueue_dma source(%dma_start3A_303 : memref<632x128xf32, #tpu.memory_space<vmem_shared>>) target(%dma_start3A_301 : memref<632x128xf32, #tpu.memory_space<hbm>>) target_semaphore(%run_scoped3A_299 : memref<!tpu.dma_semaphore, #tpu.memory_space<semaphore_mem>>)
      %dma_wait3A = arith.constant 0 : i32
      %dma_wait3A_304 = tpu.memref_slice %arg5[%arg0, %multiple_of3A, %dma_wait3A] : memref<2x10112x128xf32, #tpu.memory_space<hbm>> -> memref<1x632x128xf32, #tpu.memory_space<hbm>>
      %dma_wait3A_305 = tpu.memref_squeeze %dma_wait3A_304 : memref<1x632x128xf32, #tpu.memory_space<hbm>> -> memref<632x128xf32, #tpu.memory_space<hbm>>
      %dma_wait3A_306 = arith.constant 0 : i32
      %dma_wait3A_307 = tpu.memref_slice %arg12[%multiple_of3A, %dma_wait3A_306] : memref<10112x128xf32, #tpu.memory_space<vmem_shared>> -> memref<632x128xf32, #tpu.memory_space<vmem_shared>>
      tpu.wait_dma2 semaphore(%run_scoped3A_299 : memref<!tpu.dma_semaphore, #tpu.memory_space<semaphore_mem>>) src(%dma_wait3A_307 : memref<632x128xf32, #tpu.memory_space<vmem_shared>>) dst(%dma_wait3A_305 : memref<632x128xf32, #tpu.memory_space<hbm>>)
      tpu.yield
    }) : () -> ()
    "tpu.region"() ({
      %run_scoped3A_299 = tpu.sem_alloc : memref<!tpu.dma_semaphore, #tpu.memory_space<semaphore_mem>>
      %dma_start3A = arith.constant 0 : i32
      %dma_start3A_300 = tpu.memref_slice %arg11[%dma_start3A] : memref<648xf32, #tpu.memory_space<vmem>> -> memref<632xf32, #tpu.memory_space<vmem>>
      %dma_start3A_301 = tpu.memref_slice %arg13[%multiple_of3A] : memref<10112xf32, #tpu.memory_space<vmem_shared>> -> memref<632xf32, #tpu.memory_space<vmem_shared>>
      %dma_start3A_302 = arith.constant 0 : i32
      %dma_start3A_303 = tpu.memref_slice %arg11[%dma_start3A_302] : memref<648xf32, #tpu.memory_space<vmem>> -> memref<632xf32, #tpu.memory_space<vmem>>
      %dma_start3A_304 = tpu.memref_slice %arg13[%multiple_of3A] : memref<10112xf32, #tpu.memory_space<vmem_shared>> -> memref<632xf32, #tpu.memory_space<vmem_shared>>
      tpu.enqueue_dma source(%dma_start3A_304 : memref<632xf32, #tpu.memory_space<vmem_shared>>) target(%dma_start3A_303 : memref<632xf32, #tpu.memory_space<vmem>>) target_semaphore(%run_scoped3A_299 : memref<!tpu.dma_semaphore, #tpu.memory_space<semaphore_mem>>)
      %dma_wait3A = arith.constant 0 : i32
      %dma_wait3A_305 = tpu.memref_slice %arg11[%dma_wait3A] : memref<648xf32, #tpu.memory_space<vmem>> -> memref<632xf32, #tpu.memory_space<vmem>>
      %dma_wait3A_306 = tpu.memref_slice %arg13[%multiple_of3A] : memref<10112xf32, #tpu.memory_space<vmem_shared>> -> memref<632xf32, #tpu.memory_space<vmem_shared>>
      %dma_wait3A_307 = arith.constant 0 : i32
      %dma_wait3A_308 = tpu.memref_slice %arg11[%dma_wait3A_307] : memref<648xf32, #tpu.memory_space<vmem>> -> memref<632xf32, #tpu.memory_space<vmem>>
      %dma_wait3A_309 = tpu.memref_slice %arg13[%multiple_of3A] : memref<10112xf32, #tpu.memory_space<vmem_shared>> -> memref<632xf32, #tpu.memory_space<vmem_shared>>
      tpu.wait_dma2 semaphore(%run_scoped3A_299 : memref<!tpu.dma_semaphore, #tpu.memory_space<semaphore_mem>>) src(%dma_wait3A_309 : memref<632xf32, #tpu.memory_space<vmem_shared>>) dst(%dma_wait3A_308 : memref<632xf32, #tpu.memory_space<vmem>>)
      tpu.yield
    }) : () -> ()
    %mul3A_296 = arith.constant 10112 : i32
    %mul3A_297 = arith.muli %arg0, %mul3A_296 : i32
    %add3A_298 = arith.addi %mul3A_297, %multiple_of3A : i32
    "tpu.region"() ({
      %run_scoped3A_299 = tpu.sem_alloc : memref<!tpu.dma_semaphore, #tpu.memory_space<semaphore_mem>>
      %dma_start3A = arith.constant 0 : i32
      %dma_start3A_300 = tpu.memref_slice %arg11[%dma_start3A] : memref<648xf32, #tpu.memory_space<vmem>> -> memref<632xf32, #tpu.memory_space<vmem>>
      %dma_start3A_301 = tpu.memref_slice %arg6[%add3A_298] : memref<20224xf32, #tpu.memory_space<hbm>> -> memref<632xf32, #tpu.memory_space<hbm>>
      %dma_start3A_302 = tpu.memref_slice %arg6[%add3A_298] : memref<20224xf32, #tpu.memory_space<hbm>> -> memref<632xf32, #tpu.memory_space<hbm>>
      %dma_start3A_303 = arith.constant 0 : i32
      %dma_start3A_304 = tpu.memref_slice %arg11[%dma_start3A_303] : memref<648xf32, #tpu.memory_space<vmem>> -> memref<632xf32, #tpu.memory_space<vmem>>
      tpu.enqueue_dma source(%dma_start3A_304 : memref<632xf32, #tpu.memory_space<vmem>>) target(%dma_start3A_302 : memref<632xf32, #tpu.memory_space<hbm>>) target_semaphore(%run_scoped3A_299 : memref<!tpu.dma_semaphore, #tpu.memory_space<semaphore_mem>>)
      %dma_wait3A = arith.constant 0 : i32
      %dma_wait3A_305 = tpu.memref_slice %arg11[%dma_wait3A] : memref<648xf32, #tpu.memory_space<vmem>> -> memref<632xf32, #tpu.memory_space<vmem>>
      %dma_wait3A_306 = tpu.memref_slice %arg6[%add3A_298] : memref<20224xf32, #tpu.memory_space<hbm>> -> memref<632xf32, #tpu.memory_space<hbm>>
      %dma_wait3A_307 = tpu.memref_slice %arg6[%add3A_298] : memref<20224xf32, #tpu.memory_space<hbm>> -> memref<632xf32, #tpu.memory_space<hbm>>
      %dma_wait3A_308 = arith.constant 0 : i32
      %dma_wait3A_309 = tpu.memref_slice %arg11[%dma_wait3A_308] : memref<648xf32, #tpu.memory_space<vmem>> -> memref<632xf32, #tpu.memory_space<vmem>>
      tpu.wait_dma2 semaphore(%run_scoped3A_299 : memref<!tpu.dma_semaphore, #tpu.memory_space<semaphore_mem>>) src(%dma_wait3A_309 : memref<632xf32, #tpu.memory_space<vmem>>) dst(%dma_wait3A_307 : memref<632xf32, #tpu.memory_space<hbm>>)
      tpu.yield
    }) : () -> ()
    return
  }
}

#map = affine_map<(d0, d1) -> (0, 0)>
#map1 = affine_map<(d0, d1) -> (0, 0, 0, 0)>
#map2 = affine_map<(d0, d1) -> (0, 0, 0)>
#map3 = affine_map<(d0, d1) -> (0)>
module attributes {stable_mosaic.version = 14 : i64} {
  func.func @_sc_agg_body(%arg0: i32, %arg1: i32, %arg2: memref<10000x128xf32, #tpu.memory_space<hbm>>, %arg3: memref<2x32x80x128xi32, #tpu.memory_space<hbm>>, %arg4: memref<10112x128xf32, #tpu.memory_space<hbm>>, %arg5: memref<2x10112x128xf32, #tpu.memory_space<hbm>>, %arg6: memref<8xf32, #tpu.memory_space<hbm>>, %arg7: memref<80x128xi32, #tpu.memory_space<vmem>>, %arg8: memref<80x128xi32, #tpu.memory_space<vmem>>, %arg9: memref<128x128xf32, #tpu.memory_space<vmem>>, %arg10: memref<128xf32, #tpu.memory_space<vmem>>, %arg11: memref<648xf32, #tpu.memory_space<vmem>>, %arg12: memref<10112x128xf32, #tpu.memory_space<vmem_shared>>, %arg13: memref<10112xf32, #tpu.memory_space<vmem_shared>>, %arg14: memref<!tpu.dma_semaphore, #tpu.memory_space<semaphore_mem>>) attributes {dimension_semantics = [#tpu.dimension_semantics<core_parallel>, #tpu.dimension_semantics<subcore_parallel>], iteration_bounds = array<i64: 2, 16>, scalar_prefetch = 0 : i64, scratch_operands = 8 : i64, tpu.core_type = #tpu.core_type<sc_vector_subcore>, window_params = [{transform_indices = #map}, {transform_indices = #map1}, {transform_indices = #map}, {transform_indices = #map2}, {transform_indices = #map3}]} {
    %mul3A = arith.constant 16 : i32
    %mul3A_0 = arith.muli %arg0, %mul3A : i32
    %add3A = arith.addi %mul3A_0, %arg1 : i32
    %mul3A_1 = arith.constant 632 : i32
    %mul3A_2 = arith.muli %arg1, %mul3A_1 : i32
    %multiple_of3A = tpu.assume_multiple %mul3A_2, 8 : i32
    "tpu.region"() ({
      %run_scoped3A_10 = tpu.sem_alloc : memref<!tpu.dma_semaphore, #tpu.memory_space<semaphore_mem>>
      %dma_start3A = arith.constant 0 : i32
      %dma_start3A_11 = tpu.memref_slice %arg12[%multiple_of3A, %dma_start3A] : memref<10112x128xf32, #tpu.memory_space<vmem_shared>> -> memref<632x128xf32, #tpu.memory_space<vmem_shared>>
      %dma_start3A_12 = arith.constant 0 : i32
      %dma_start3A_13 = tpu.memref_slice %arg4[%multiple_of3A, %dma_start3A_12] : memref<10112x128xf32, #tpu.memory_space<hbm>> -> memref<632x128xf32, #tpu.memory_space<hbm>>
      tpu.enqueue_dma source(%dma_start3A_13 : memref<632x128xf32, #tpu.memory_space<hbm>>) target(%dma_start3A_11 : memref<632x128xf32, #tpu.memory_space<vmem_shared>>) target_semaphore(%run_scoped3A_10 : memref<!tpu.dma_semaphore, #tpu.memory_space<semaphore_mem>>)
      %dma_wait3A = arith.constant 0 : i32
      %dma_wait3A_14 = tpu.memref_slice %arg12[%multiple_of3A, %dma_wait3A] : memref<10112x128xf32, #tpu.memory_space<vmem_shared>> -> memref<632x128xf32, #tpu.memory_space<vmem_shared>>
      %dma_wait3A_15 = arith.constant 0 : i32
      %dma_wait3A_16 = tpu.memref_slice %arg4[%multiple_of3A, %dma_wait3A_15] : memref<10112x128xf32, #tpu.memory_space<hbm>> -> memref<632x128xf32, #tpu.memory_space<hbm>>
      tpu.wait_dma2 semaphore(%run_scoped3A_10 : memref<!tpu.dma_semaphore, #tpu.memory_space<semaphore_mem>>) src(%dma_wait3A_16 : memref<632x128xf32, #tpu.memory_space<hbm>>) dst(%dma_wait3A_14 : memref<632x128xf32, #tpu.memory_space<vmem_shared>>)
      tpu.yield
    }) : () -> ()
    %run_scoped3A = arith.constant 0 : i32
    "tpu.region"() ({
      %run_scoped3A_10 = tpu.sem_alloc : memref<!tpu.dma_semaphore, #tpu.memory_space<semaphore_mem>>
      %dma_start3A = arith.constant 0 : i32
      %dma_start3A_11 = arith.constant 0 : i32
      %dma_start3A_12 = tpu.memref_slice %arg3[%run_scoped3A, %add3A, %dma_start3A, %dma_start3A_11] : memref<2x32x80x128xi32, #tpu.memory_space<hbm>> -> memref<1x1x80x128xi32, #tpu.memory_space<hbm>>
      %dma_start3A_13 = tpu.memref_squeeze %dma_start3A_12 : memref<1x1x80x128xi32, #tpu.memory_space<hbm>> -> memref<80x128xi32, #tpu.memory_space<hbm>>
      %dma_start3A_14 = arith.constant 0 : i32
      %dma_start3A_15 = arith.constant 0 : i32
      %dma_start3A_16 = tpu.memref_slice %arg3[%run_scoped3A, %add3A, %dma_start3A_14, %dma_start3A_15] : memref<2x32x80x128xi32, #tpu.memory_space<hbm>> -> memref<1x1x80x128xi32, #tpu.memory_space<hbm>>
      %dma_start3A_17 = tpu.memref_squeeze %dma_start3A_16 : memref<1x1x80x128xi32, #tpu.memory_space<hbm>> -> memref<80x128xi32, #tpu.memory_space<hbm>>
      tpu.enqueue_dma source(%dma_start3A_17 : memref<80x128xi32, #tpu.memory_space<hbm>>) target(%arg7 : memref<80x128xi32, #tpu.memory_space<vmem>>) target_semaphore(%run_scoped3A_10 : memref<!tpu.dma_semaphore, #tpu.memory_space<semaphore_mem>>)
      %dma_wait3A = arith.constant 0 : i32
      %dma_wait3A_18 = arith.constant 0 : i32
      %dma_wait3A_19 = tpu.memref_slice %arg3[%run_scoped3A, %add3A, %dma_wait3A, %dma_wait3A_18] : memref<2x32x80x128xi32, #tpu.memory_space<hbm>> -> memref<1x1x80x128xi32, #tpu.memory_space<hbm>>
      %dma_wait3A_20 = tpu.memref_squeeze %dma_wait3A_19 : memref<1x1x80x128xi32, #tpu.memory_space<hbm>> -> memref<80x128xi32, #tpu.memory_space<hbm>>
      %dma_wait3A_21 = arith.constant 0 : i32
      %dma_wait3A_22 = arith.constant 0 : i32
      %dma_wait3A_23 = tpu.memref_slice %arg3[%run_scoped3A, %add3A, %dma_wait3A_21, %dma_wait3A_22] : memref<2x32x80x128xi32, #tpu.memory_space<hbm>> -> memref<1x1x80x128xi32, #tpu.memory_space<hbm>>
      %dma_wait3A_24 = tpu.memref_squeeze %dma_wait3A_23 : memref<1x1x80x128xi32, #tpu.memory_space<hbm>> -> memref<80x128xi32, #tpu.memory_space<hbm>>
      tpu.wait_dma2 semaphore(%run_scoped3A_10 : memref<!tpu.dma_semaphore, #tpu.memory_space<semaphore_mem>>) src(%dma_wait3A_24 : memref<80x128xi32, #tpu.memory_space<hbm>>) dst(%arg7 : memref<80x128xi32, #tpu.memory_space<vmem>>)
      tpu.yield
    }) : () -> ()
    %run_scoped3A_3 = arith.constant 1 : i32
    "tpu.region"() ({
      %run_scoped3A_10 = tpu.sem_alloc : memref<!tpu.dma_semaphore, #tpu.memory_space<semaphore_mem>>
      %dma_start3A = arith.constant 0 : i32
      %dma_start3A_11 = arith.constant 0 : i32
      %dma_start3A_12 = tpu.memref_slice %arg3[%run_scoped3A_3, %add3A, %dma_start3A, %dma_start3A_11] : memref<2x32x80x128xi32, #tpu.memory_space<hbm>> -> memref<1x1x80x128xi32, #tpu.memory_space<hbm>>
      %dma_start3A_13 = tpu.memref_squeeze %dma_start3A_12 : memref<1x1x80x128xi32, #tpu.memory_space<hbm>> -> memref<80x128xi32, #tpu.memory_space<hbm>>
      %dma_start3A_14 = arith.constant 0 : i32
      %dma_start3A_15 = arith.constant 0 : i32
      %dma_start3A_16 = tpu.memref_slice %arg3[%run_scoped3A_3, %add3A, %dma_start3A_14, %dma_start3A_15] : memref<2x32x80x128xi32, #tpu.memory_space<hbm>> -> memref<1x1x80x128xi32, #tpu.memory_space<hbm>>
      %dma_start3A_17 = tpu.memref_squeeze %dma_start3A_16 : memref<1x1x80x128xi32, #tpu.memory_space<hbm>> -> memref<80x128xi32, #tpu.memory_space<hbm>>
      tpu.enqueue_dma source(%dma_start3A_17 : memref<80x128xi32, #tpu.memory_space<hbm>>) target(%arg8 : memref<80x128xi32, #tpu.memory_space<vmem>>) target_semaphore(%run_scoped3A_10 : memref<!tpu.dma_semaphore, #tpu.memory_space<semaphore_mem>>)
      %dma_wait3A = arith.constant 0 : i32
      %dma_wait3A_18 = arith.constant 0 : i32
      %dma_wait3A_19 = tpu.memref_slice %arg3[%run_scoped3A_3, %add3A, %dma_wait3A, %dma_wait3A_18] : memref<2x32x80x128xi32, #tpu.memory_space<hbm>> -> memref<1x1x80x128xi32, #tpu.memory_space<hbm>>
      %dma_wait3A_20 = tpu.memref_squeeze %dma_wait3A_19 : memref<1x1x80x128xi32, #tpu.memory_space<hbm>> -> memref<80x128xi32, #tpu.memory_space<hbm>>
      %dma_wait3A_21 = arith.constant 0 : i32
      %dma_wait3A_22 = arith.constant 0 : i32
      %dma_wait3A_23 = tpu.memref_slice %arg3[%run_scoped3A_3, %add3A, %dma_wait3A_21, %dma_wait3A_22] : memref<2x32x80x128xi32, #tpu.memory_space<hbm>> -> memref<1x1x80x128xi32, #tpu.memory_space<hbm>>
      %dma_wait3A_24 = tpu.memref_squeeze %dma_wait3A_23 : memref<1x1x80x128xi32, #tpu.memory_space<hbm>> -> memref<80x128xi32, #tpu.memory_space<hbm>>
      tpu.wait_dma2 semaphore(%run_scoped3A_10 : memref<!tpu.dma_semaphore, #tpu.memory_space<semaphore_mem>>) src(%dma_wait3A_24 : memref<80x128xi32, #tpu.memory_space<hbm>>) dst(%arg8 : memref<80x128xi32, #tpu.memory_space<vmem>>)
      tpu.yield
    }) : () -> ()
    %barrier3A = arith.constant 0 : index
    tpu.barrier barrier_id(%barrier3A)
    %scan3A = arith.constant 0 : i32
    %scan3A_4 = arith.constant 0 : i32
    %scan3A_5 = arith.constant 40 : i32
    %scan3A_6 = arith.addi %scan3A_4, %scan3A_5 : i32
    %scan3A_7 = arith.constant 1 : i32
    scf.for %scan3A_10 = %scan3A_4 to %scan3A_6 step %scan3A_7  : i32 {
      %mul3A_11 = arith.constant 2 : i32
      %mul3A_12 = arith.muli %mul3A_11, %scan3A_10 : i32
      %add3A_13 = arith.constant 0 : i32
      %add3A_14 = arith.addi %mul3A_12, %add3A_13 : i32
      %dma_start3A = arith.constant 0 : i32
      %dma_start3A_15 = tpu.memref_slice %arg7[%add3A_14, %dma_start3A] : memref<80x128xi32, #tpu.memory_space<vmem>> -> memref<1x128xi32, #tpu.memory_space<vmem>>
      %dma_start3A_16 = tpu.memref_squeeze %dma_start3A_15 : memref<1x128xi32, #tpu.memory_space<vmem>> -> memref<128xi32, #tpu.memory_space<vmem>>
      %dma_start3A_17 = arith.constant 0 : i32
      %dma_start3A_18 = arith.constant 0 : i32
      %dma_start3A_19 = tpu.memref_slice %arg2[%dma_start3A_17, %dma_start3A_18] : memref<10000x128xf32, #tpu.memory_space<hbm>> -> memref<10000x128xf32, #tpu.memory_space<hbm>>
      tpu.enqueue_indirect_dma source(%dma_start3A_19 : memref<10000x128xf32, #tpu.memory_space<hbm>>) target(%arg9 : memref<128x128xf32, #tpu.memory_space<vmem>>) offsets(%dma_start3A_16 : memref<128xi32, #tpu.memory_space<vmem>>) semaphore(%arg14 : memref<!tpu.dma_semaphore, #tpu.memory_space<semaphore_mem>>)
      %dma_wait3A = arith.constant 0 : i32
      %dma_wait3A_20 = tpu.memref_slice %arg7[%add3A_14, %dma_wait3A] : memref<80x128xi32, #tpu.memory_space<vmem>> -> memref<1x128xi32, #tpu.memory_space<vmem>>
      %dma_wait3A_21 = tpu.memref_squeeze %dma_wait3A_20 : memref<1x128xi32, #tpu.memory_space<vmem>> -> memref<128xi32, #tpu.memory_space<vmem>>
      %dma_wait3A_22 = arith.constant 0 : i32
      %dma_wait3A_23 = arith.constant 0 : i32
      %dma_wait3A_24 = tpu.memref_slice %arg2[%dma_wait3A_22, %dma_wait3A_23] : memref<10000x128xf32, #tpu.memory_space<hbm>> -> memref<10000x128xf32, #tpu.memory_space<hbm>>
      tpu.wait_indirect_dma semaphore(%arg14 : memref<!tpu.dma_semaphore, #tpu.memory_space<semaphore_mem>>) src(%dma_wait3A_24 : memref<10000x128xf32, #tpu.memory_space<hbm>>) dst(%arg9 : memref<128x128xf32, #tpu.memory_space<vmem>>)
      "tpu.region"() ({
        %run_scoped3A_41 = tpu.sem_alloc : memref<!tpu.dma_semaphore, #tpu.memory_space<semaphore_mem>>
        %dma_start3A_42 = arith.constant 0 : i32
        %dma_start3A_43 = tpu.memref_slice %arg8[%add3A_14, %dma_start3A_42] : memref<80x128xi32, #tpu.memory_space<vmem>> -> memref<1x128xi32, #tpu.memory_space<vmem>>
        %dma_start3A_44 = tpu.memref_squeeze %dma_start3A_43 : memref<1x128xi32, #tpu.memory_space<vmem>> -> memref<128xi32, #tpu.memory_space<vmem>>
        %dma_start3A_45 = arith.constant 0 : i32
        %dma_start3A_46 = arith.constant 0 : i32
        %dma_start3A_47 = tpu.memref_slice %arg12[%dma_start3A_45, %dma_start3A_46] : memref<10112x128xf32, #tpu.memory_space<vmem_shared>> -> memref<10112x128xf32, #tpu.memory_space<vmem_shared>>
        tpu.enqueue_indirect_dma source(%arg9 : memref<128x128xf32, #tpu.memory_space<vmem>>) target(%dma_start3A_47 : memref<10112x128xf32, #tpu.memory_space<vmem_shared>>) offsets(%dma_start3A_44 : memref<128xi32, #tpu.memory_space<vmem>>) semaphore(%run_scoped3A_41 : memref<!tpu.dma_semaphore, #tpu.memory_space<semaphore_mem>>) {add = true}
        %dma_wait3A_48 = arith.constant 0 : i32
        %dma_wait3A_49 = tpu.memref_slice %arg8[%add3A_14, %dma_wait3A_48] : memref<80x128xi32, #tpu.memory_space<vmem>> -> memref<1x128xi32, #tpu.memory_space<vmem>>
        %dma_wait3A_50 = tpu.memref_squeeze %dma_wait3A_49 : memref<1x128xi32, #tpu.memory_space<vmem>> -> memref<128xi32, #tpu.memory_space<vmem>>
        %dma_wait3A_51 = arith.constant 0 : i32
        %dma_wait3A_52 = arith.constant 0 : i32
        %dma_wait3A_53 = tpu.memref_slice %arg12[%dma_wait3A_51, %dma_wait3A_52] : memref<10112x128xf32, #tpu.memory_space<vmem_shared>> -> memref<10112x128xf32, #tpu.memory_space<vmem_shared>>
        tpu.wait_indirect_dma semaphore(%run_scoped3A_41 : memref<!tpu.dma_semaphore, #tpu.memory_space<semaphore_mem>>) src(%arg9 : memref<128x128xf32, #tpu.memory_space<vmem>>) dst(%dma_wait3A_53 : memref<10112x128xf32, #tpu.memory_space<vmem_shared>>)
        tpu.yield
      }) : () -> ()
      %mul3A_25 = arith.constant 2 : i32
      %mul3A_26 = arith.muli %mul3A_25, %scan3A_10 : i32
      %add3A_27 = arith.constant 1 : i32
      %add3A_28 = arith.addi %mul3A_26, %add3A_27 : i32
      %dma_start3A_29 = arith.constant 0 : i32
      %dma_start3A_30 = tpu.memref_slice %arg7[%add3A_28, %dma_start3A_29] : memref<80x128xi32, #tpu.memory_space<vmem>> -> memref<1x128xi32, #tpu.memory_space<vmem>>
      %dma_start3A_31 = tpu.memref_squeeze %dma_start3A_30 : memref<1x128xi32, #tpu.memory_space<vmem>> -> memref<128xi32, #tpu.memory_space<vmem>>
      %dma_start3A_32 = arith.constant 0 : i32
      %dma_start3A_33 = arith.constant 0 : i32
      %dma_start3A_34 = tpu.memref_slice %arg2[%dma_start3A_32, %dma_start3A_33] : memref<10000x128xf32, #tpu.memory_space<hbm>> -> memref<10000x128xf32, #tpu.memory_space<hbm>>
      tpu.enqueue_indirect_dma source(%dma_start3A_34 : memref<10000x128xf32, #tpu.memory_space<hbm>>) target(%arg9 : memref<128x128xf32, #tpu.memory_space<vmem>>) offsets(%dma_start3A_31 : memref<128xi32, #tpu.memory_space<vmem>>) semaphore(%arg14 : memref<!tpu.dma_semaphore, #tpu.memory_space<semaphore_mem>>)
      %dma_wait3A_35 = arith.constant 0 : i32
      %dma_wait3A_36 = tpu.memref_slice %arg7[%add3A_28, %dma_wait3A_35] : memref<80x128xi32, #tpu.memory_space<vmem>> -> memref<1x128xi32, #tpu.memory_space<vmem>>
      %dma_wait3A_37 = tpu.memref_squeeze %dma_wait3A_36 : memref<1x128xi32, #tpu.memory_space<vmem>> -> memref<128xi32, #tpu.memory_space<vmem>>
      %dma_wait3A_38 = arith.constant 0 : i32
      %dma_wait3A_39 = arith.constant 0 : i32
      %dma_wait3A_40 = tpu.memref_slice %arg2[%dma_wait3A_38, %dma_wait3A_39] : memref<10000x128xf32, #tpu.memory_space<hbm>> -> memref<10000x128xf32, #tpu.memory_space<hbm>>
      tpu.wait_indirect_dma semaphore(%arg14 : memref<!tpu.dma_semaphore, #tpu.memory_space<semaphore_mem>>) src(%dma_wait3A_40 : memref<10000x128xf32, #tpu.memory_space<hbm>>) dst(%arg9 : memref<128x128xf32, #tpu.memory_space<vmem>>)
      "tpu.region"() ({
        %run_scoped3A_41 = tpu.sem_alloc : memref<!tpu.dma_semaphore, #tpu.memory_space<semaphore_mem>>
        %dma_start3A_42 = arith.constant 0 : i32
        %dma_start3A_43 = tpu.memref_slice %arg8[%add3A_28, %dma_start3A_42] : memref<80x128xi32, #tpu.memory_space<vmem>> -> memref<1x128xi32, #tpu.memory_space<vmem>>
        %dma_start3A_44 = tpu.memref_squeeze %dma_start3A_43 : memref<1x128xi32, #tpu.memory_space<vmem>> -> memref<128xi32, #tpu.memory_space<vmem>>
        %dma_start3A_45 = arith.constant 0 : i32
        %dma_start3A_46 = arith.constant 0 : i32
        %dma_start3A_47 = tpu.memref_slice %arg12[%dma_start3A_45, %dma_start3A_46] : memref<10112x128xf32, #tpu.memory_space<vmem_shared>> -> memref<10112x128xf32, #tpu.memory_space<vmem_shared>>
        tpu.enqueue_indirect_dma source(%arg9 : memref<128x128xf32, #tpu.memory_space<vmem>>) target(%dma_start3A_47 : memref<10112x128xf32, #tpu.memory_space<vmem_shared>>) offsets(%dma_start3A_44 : memref<128xi32, #tpu.memory_space<vmem>>) semaphore(%run_scoped3A_41 : memref<!tpu.dma_semaphore, #tpu.memory_space<semaphore_mem>>) {add = true}
        %dma_wait3A_48 = arith.constant 0 : i32
        %dma_wait3A_49 = tpu.memref_slice %arg8[%add3A_28, %dma_wait3A_48] : memref<80x128xi32, #tpu.memory_space<vmem>> -> memref<1x128xi32, #tpu.memory_space<vmem>>
        %dma_wait3A_50 = tpu.memref_squeeze %dma_wait3A_49 : memref<1x128xi32, #tpu.memory_space<vmem>> -> memref<128xi32, #tpu.memory_space<vmem>>
        %dma_wait3A_51 = arith.constant 0 : i32
        %dma_wait3A_52 = arith.constant 0 : i32
        %dma_wait3A_53 = tpu.memref_slice %arg12[%dma_wait3A_51, %dma_wait3A_52] : memref<10112x128xf32, #tpu.memory_space<vmem_shared>> -> memref<10112x128xf32, #tpu.memory_space<vmem_shared>>
        tpu.wait_indirect_dma semaphore(%run_scoped3A_41 : memref<!tpu.dma_semaphore, #tpu.memory_space<semaphore_mem>>) src(%arg9 : memref<128x128xf32, #tpu.memory_space<vmem>>) dst(%dma_wait3A_53 : memref<10112x128xf32, #tpu.memory_space<vmem_shared>>)
        tpu.yield
      }) : () -> ()
    }
    %scan3A_8 = arith.constant 40 : i32
    %barrier3A_9 = arith.constant 0 : index
    tpu.barrier barrier_id(%barrier3A_9)
    "tpu.region"() ({
      %run_scoped3A_10 = tpu.sem_alloc : memref<!tpu.dma_semaphore, #tpu.memory_space<semaphore_mem>>
      %dma_start3A = arith.constant 0 : i32
      %dma_start3A_11 = tpu.memref_slice %arg5[%arg0, %multiple_of3A, %dma_start3A] : memref<2x10112x128xf32, #tpu.memory_space<hbm>> -> memref<1x632x128xf32, #tpu.memory_space<hbm>>
      %dma_start3A_12 = tpu.memref_squeeze %dma_start3A_11 : memref<1x632x128xf32, #tpu.memory_space<hbm>> -> memref<632x128xf32, #tpu.memory_space<hbm>>
      %dma_start3A_13 = arith.constant 0 : i32
      %dma_start3A_14 = tpu.memref_slice %arg12[%multiple_of3A, %dma_start3A_13] : memref<10112x128xf32, #tpu.memory_space<vmem_shared>> -> memref<632x128xf32, #tpu.memory_space<vmem_shared>>
      tpu.enqueue_dma source(%dma_start3A_14 : memref<632x128xf32, #tpu.memory_space<vmem_shared>>) target(%dma_start3A_12 : memref<632x128xf32, #tpu.memory_space<hbm>>) target_semaphore(%run_scoped3A_10 : memref<!tpu.dma_semaphore, #tpu.memory_space<semaphore_mem>>)
      %dma_wait3A = arith.constant 0 : i32
      %dma_wait3A_15 = tpu.memref_slice %arg5[%arg0, %multiple_of3A, %dma_wait3A] : memref<2x10112x128xf32, #tpu.memory_space<hbm>> -> memref<1x632x128xf32, #tpu.memory_space<hbm>>
      %dma_wait3A_16 = tpu.memref_squeeze %dma_wait3A_15 : memref<1x632x128xf32, #tpu.memory_space<hbm>> -> memref<632x128xf32, #tpu.memory_space<hbm>>
      %dma_wait3A_17 = arith.constant 0 : i32
      %dma_wait3A_18 = tpu.memref_slice %arg12[%multiple_of3A, %dma_wait3A_17] : memref<10112x128xf32, #tpu.memory_space<vmem_shared>> -> memref<632x128xf32, #tpu.memory_space<vmem_shared>>
      tpu.wait_dma2 semaphore(%run_scoped3A_10 : memref<!tpu.dma_semaphore, #tpu.memory_space<semaphore_mem>>) src(%dma_wait3A_18 : memref<632x128xf32, #tpu.memory_space<vmem_shared>>) dst(%dma_wait3A_16 : memref<632x128xf32, #tpu.memory_space<hbm>>)
      tpu.yield
    }) : () -> ()
    return
  }
}

module attributes {stable_mosaic.version = 14 : i64} {
  func.func @_tc2_body(%arg0: i32, %arg1: memref<1000x128xf32, #tpu.memory_space<vmem>>, %arg2: memref<1000x128xf32, #tpu.memory_space<vmem>>, %arg3: memref<1000x1xf32, #tpu.memory_space<vmem>>, %arg4: memref<1000x1xf32, #tpu.memory_space<vmem>>, %arg5: memref<1000x128xf32, #tpu.memory_space<vmem>>, %arg6: memref<128x128xf32, #tpu.memory_space<vmem>>, %arg7: memref<128x128xf32, #tpu.memory_space<vmem>>, %arg8: memref<1x128xf32, #tpu.memory_space<vmem>>, %arg9: memref<1000x128xf32, #tpu.memory_space<vmem>>) attributes {dimension_semantics = [#tpu.dimension_semantics<arbitrary>], iteration_bounds = array<i64: 10>, scalar_prefetch = 0 : i64, scratch_operands = 0 : i64, tpu.core_type = #tpu.core_type<tc>, window_params = [{transform_indices = @transform_0, window_bounds = array<i64: 1000, 128>}, {transform_indices = @transform_1, window_bounds = array<i64: 1000, 128>}, {transform_indices = @transform_2, window_bounds = array<i64: 1000, 1>}, {transform_indices = @transform_3, window_bounds = array<i64: 1000, 1>}, {transform_indices = @transform_4, window_bounds = array<i64: 1000, 128>}, {pipeline_mode = #tpu.pipeline_mode<synchronous>, transform_indices = @transform_5, window_bounds = array<i64: 128, 128>}, {pipeline_mode = #tpu.pipeline_mode<synchronous>, transform_indices = @transform_6, window_bounds = array<i64: 128, 128>}, {pipeline_mode = #tpu.pipeline_mode<synchronous>, transform_indices = @transform_7, window_bounds = array<i64: 1, 128>}, {transform_indices = @transform_8, window_bounds = array<i64: 1000, 128>}]} {
    %get3A = arith.constant 0 : index
    %get3A_0 = arith.constant 0 : index
    %get3A_1 = vector.load %arg3[%get3A, %get3A_0] : memref<1000x1xf32, #tpu.memory_space<vmem>>, vector<1000x1xf32>
    %get3A_2 = arith.constant 0 : index
    %get3A_3 = arith.constant 0 : index
    %get3A_4 = vector.load %arg4[%get3A_2, %get3A_3] : memref<1000x1xf32, #tpu.memory_space<vmem>>, vector<1000x1xf32>
    %add3A = arith.addf %get3A_1, %get3A_4 : vector<1000x1xf32>
    %get3A_5 = arith.constant 0 : index
    %get3A_6 = arith.constant 0 : index
    %get3A_7 = vector.load %arg1[%get3A_5, %get3A_6] : memref<1000x128xf32, #tpu.memory_space<vmem>>, vector<1000x128xf32>
    %get3A_8 = arith.constant 0 : index
    %get3A_9 = arith.constant 0 : index
    %get3A_10 = vector.load %arg2[%get3A_8, %get3A_9] : memref<1000x128xf32, #tpu.memory_space<vmem>>, vector<1000x128xf32>
    %add3A_11 = arith.addf %get3A_7, %get3A_10 : vector<1000x128xf32>
    %max3A = arith.constant 1.000000e+00 : f32
    %max3A_12 = vector.broadcast %max3A : f32 to vector<1000x1xf32>
    %max3A_13 = arith.maximumf %add3A, %max3A_12 : vector<1000x1xf32>
    %div3A = vector.broadcast %max3A_13 : vector<1000x1xf32> to vector<1000x128xf32>
    %div3A_14 = arith.divf %add3A_11, %div3A : vector<1000x128xf32>
    %get3A_15 = arith.constant 0 : index
    %get3A_16 = arith.constant 0 : index
    %get3A_17 = vector.load %arg6[%get3A_15, %get3A_16] : memref<128x128xf32, #tpu.memory_space<vmem>>, vector<128x128xf32>
    %dot_general3A = arith.constant dense<0.000000e+00> : vector<1000x128xf32>
    %dot_general3A_18 = tpu.matmul %div3A_14, %get3A_17, %dot_general3A {dimension_numbers = #tpu.dot_dimension_numbers<[1], [0], [0], [1], [0, 0, 1, 1], [], []>, precision = #tpu.contract_precision<fp32>, transpose_lhs_hint = false} : vector<1000x128xf32>, vector<128x128xf32>, vector<1000x128xf32> -> vector<1000x128xf32>
    %get3A_19 = arith.constant 0 : index
    %get3A_20 = arith.constant 0 : index
    %get3A_21 = vector.load %arg8[%get3A_19, %get3A_20] : memref<1x128xf32, #tpu.memory_space<vmem>>, vector<1x128xf32>
    %add3A_22 = vector.broadcast %get3A_21 : vector<1x128xf32> to vector<1000x128xf32>
    %add3A_23 = arith.addf %dot_general3A_18, %add3A_22 : vector<1000x128xf32>
    %get3A_24 = arith.constant 0 : index
    %get3A_25 = arith.constant 0 : index
    %get3A_26 = vector.load %arg5[%get3A_24, %get3A_25] : memref<1000x128xf32, #tpu.memory_space<vmem>>, vector<1000x128xf32>
    %get3A_27 = arith.constant 0 : index
    %get3A_28 = arith.constant 0 : index
    %get3A_29 = vector.load %arg7[%get3A_27, %get3A_28] : memref<128x128xf32, #tpu.memory_space<vmem>>, vector<128x128xf32>
    %dot_general3A_30 = arith.constant dense<0.000000e+00> : vector<1000x128xf32>
    %dot_general3A_31 = tpu.matmul %get3A_26, %get3A_29, %dot_general3A_30 {dimension_numbers = #tpu.dot_dimension_numbers<[1], [0], [0], [1], [0, 0, 1, 1], [], []>, precision = #tpu.contract_precision<fp32>, transpose_lhs_hint = false} : vector<1000x128xf32>, vector<128x128xf32>, vector<1000x128xf32> -> vector<1000x128xf32>
    %add3A_32 = arith.addf %add3A_23, %dot_general3A_31 : vector<1000x128xf32>
    %max3A_33 = arith.constant 0.000000e+00 : f32
    %max3A_34 = vector.broadcast %max3A_33 : f32 to vector<1000x128xf32>
    %max3A_35 = arith.maximumf %add3A_32, %max3A_34 : vector<1000x128xf32>
    %swap3A = arith.constant 0 : index
    %swap3A_36 = arith.constant 0 : index
    %swap3A_37 = vector.load %arg9[%swap3A, %swap3A_36] : memref<1000x128xf32, #tpu.memory_space<vmem>>, vector<1000x128xf32>
    tpu.vector_store %arg9[%swap3A, %swap3A_36], %max3A_35 {strides = array<i32>} : memref<1000x128xf32, #tpu.memory_space<vmem>>, vector<1000x128xf32>,
    return
  }
  func.func @transform_0(%arg0: i32) -> (i32, i32) {
    %c0_i32 = arith.constant 0 : i32
    %c0_i32_0 = arith.constant 0 : i32
    return %arg0, %c0_i32 : i32, i32
  }
  func.func @transform_1(%arg0: i32) -> (i32, i32) {
    %c0_i32 = arith.constant 0 : i32
    %c0_i32_0 = arith.constant 0 : i32
    return %arg0, %c0_i32 : i32, i32
  }
  func.func @transform_2(%arg0: i32) -> (i32, i32) {
    %c0_i32 = arith.constant 0 : i32
    %c0_i32_0 = arith.constant 0 : i32
    return %arg0, %c0_i32 : i32, i32
  }
  func.func @transform_3(%arg0: i32) -> (i32, i32) {
    %c0_i32 = arith.constant 0 : i32
    %c0_i32_0 = arith.constant 0 : i32
    return %arg0, %c0_i32 : i32, i32
  }
  func.func @transform_4(%arg0: i32) -> (i32, i32) {
    %c0_i32 = arith.constant 0 : i32
    %c0_i32_0 = arith.constant 0 : i32
    return %arg0, %c0_i32 : i32, i32
  }
  func.func @transform_5(%arg0: i32) -> (i32, i32) {
    %c0_i32 = arith.constant 0 : i32
    %c0_i32_0 = arith.constant 0 : i32
    %c0_i32_1 = arith.constant 0 : i32
    return %c0_i32, %c0_i32_0 : i32, i32
  }
  func.func @transform_6(%arg0: i32) -> (i32, i32) {
    %c0_i32 = arith.constant 0 : i32
    %c0_i32_0 = arith.constant 0 : i32
    %c0_i32_1 = arith.constant 0 : i32
    return %c0_i32, %c0_i32_0 : i32, i32
  }
  func.func @transform_7(%arg0: i32) -> (i32, i32) {
    %c0_i32 = arith.constant 0 : i32
    %c0_i32_0 = arith.constant 0 : i32
    %c0_i32_1 = arith.constant 0 : i32
    return %c0_i32, %c0_i32_0 : i32, i32
  }
  func.func @transform_8(%arg0: i32) -> (i32, i32) {
    %c0_i32 = arith.constant 0 : i32
    %c0_i32_0 = arith.constant 0 : i32
    return %arg0, %c0_i32 : i32, i32
  }
}

module attributes {stable_mosaic.version = 14 : i64} {
  func.func @_tc3_body(%arg0: i32, %arg1: memref<1000x128xf32, #tpu.memory_space<vmem>>, %arg2: memref<1000x128xf32, #tpu.memory_space<vmem>>, %arg3: memref<1000x1xf32, #tpu.memory_space<vmem>>, %arg4: memref<1000x1xf32, #tpu.memory_space<vmem>>, %arg5: memref<1000x128xf32, #tpu.memory_space<vmem>>, %arg6: memref<128x128xf32, #tpu.memory_space<vmem>>, %arg7: memref<128x128xf32, #tpu.memory_space<vmem>>, %arg8: memref<1x128xf32, #tpu.memory_space<vmem>>, %arg9: memref<1000x128xf32, #tpu.memory_space<vmem>>) attributes {dimension_semantics = [#tpu.dimension_semantics<arbitrary>], iteration_bounds = array<i64: 10>, scalar_prefetch = 0 : i64, scratch_operands = 0 : i64, tpu.core_type = #tpu.core_type<tc>, window_params = [{transform_indices = @transform_0, window_bounds = array<i64: 1000, 128>}, {transform_indices = @transform_1, window_bounds = array<i64: 1000, 128>}, {transform_indices = @transform_2, window_bounds = array<i64: 1000, 1>}, {transform_indices = @transform_3, window_bounds = array<i64: 1000, 1>}, {transform_indices = @transform_4, window_bounds = array<i64: 1000, 128>}, {pipeline_mode = #tpu.pipeline_mode<synchronous>, transform_indices = @transform_5, window_bounds = array<i64: 128, 128>}, {pipeline_mode = #tpu.pipeline_mode<synchronous>, transform_indices = @transform_6, window_bounds = array<i64: 128, 128>}, {pipeline_mode = #tpu.pipeline_mode<synchronous>, transform_indices = @transform_7, window_bounds = array<i64: 1, 128>}, {transform_indices = @transform_8, window_bounds = array<i64: 1000, 128>}]} {
    %get3A = arith.constant 0 : index
    %get3A_0 = arith.constant 0 : index
    %get3A_1 = vector.load %arg3[%get3A, %get3A_0] : memref<1000x1xf32, #tpu.memory_space<vmem>>, vector<1000x1xf32>
    %get3A_2 = arith.constant 0 : index
    %get3A_3 = arith.constant 0 : index
    %get3A_4 = vector.load %arg4[%get3A_2, %get3A_3] : memref<1000x1xf32, #tpu.memory_space<vmem>>, vector<1000x1xf32>
    %add3A = arith.addf %get3A_1, %get3A_4 : vector<1000x1xf32>
    %get3A_5 = arith.constant 0 : index
    %get3A_6 = arith.constant 0 : index
    %get3A_7 = vector.load %arg1[%get3A_5, %get3A_6] : memref<1000x128xf32, #tpu.memory_space<vmem>>, vector<1000x128xf32>
    %get3A_8 = arith.constant 0 : index
    %get3A_9 = arith.constant 0 : index
    %get3A_10 = vector.load %arg2[%get3A_8, %get3A_9] : memref<1000x128xf32, #tpu.memory_space<vmem>>, vector<1000x128xf32>
    %add3A_11 = arith.addf %get3A_7, %get3A_10 : vector<1000x128xf32>
    %max3A = arith.constant 1.000000e+00 : f32
    %max3A_12 = vector.broadcast %max3A : f32 to vector<1000x1xf32>
    %max3A_13 = arith.maximumf %add3A, %max3A_12 : vector<1000x1xf32>
    %div3A = vector.broadcast %max3A_13 : vector<1000x1xf32> to vector<1000x128xf32>
    %div3A_14 = arith.divf %add3A_11, %div3A : vector<1000x128xf32>
    %get3A_15 = arith.constant 0 : index
    %get3A_16 = arith.constant 0 : index
    %get3A_17 = vector.load %arg6[%get3A_15, %get3A_16] : memref<128x128xf32, #tpu.memory_space<vmem>>, vector<128x128xf32>
    %dot_general3A = arith.constant dense<0.000000e+00> : vector<1000x128xf32>
    %dot_general3A_18 = tpu.matmul %div3A_14, %get3A_17, %dot_general3A {dimension_numbers = #tpu.dot_dimension_numbers<[1], [0], [0], [1], [0, 0, 1, 1], [], []>, precision = #tpu.contract_precision<fp32>, transpose_lhs_hint = false} : vector<1000x128xf32>, vector<128x128xf32>, vector<1000x128xf32> -> vector<1000x128xf32>
    %get3A_19 = arith.constant 0 : index
    %get3A_20 = arith.constant 0 : index
    %get3A_21 = vector.load %arg8[%get3A_19, %get3A_20] : memref<1x128xf32, #tpu.memory_space<vmem>>, vector<1x128xf32>
    %add3A_22 = vector.broadcast %get3A_21 : vector<1x128xf32> to vector<1000x128xf32>
    %add3A_23 = arith.addf %dot_general3A_18, %add3A_22 : vector<1000x128xf32>
    %get3A_24 = arith.constant 0 : index
    %get3A_25 = arith.constant 0 : index
    %get3A_26 = vector.load %arg5[%get3A_24, %get3A_25] : memref<1000x128xf32, #tpu.memory_space<vmem>>, vector<1000x128xf32>
    %get3A_27 = arith.constant 0 : index
    %get3A_28 = arith.constant 0 : index
    %get3A_29 = vector.load %arg7[%get3A_27, %get3A_28] : memref<128x128xf32, #tpu.memory_space<vmem>>, vector<128x128xf32>
    %dot_general3A_30 = arith.constant dense<0.000000e+00> : vector<1000x128xf32>
    %dot_general3A_31 = tpu.matmul %get3A_26, %get3A_29, %dot_general3A_30 {dimension_numbers = #tpu.dot_dimension_numbers<[1], [0], [0], [1], [0, 0, 1, 1], [], []>, precision = #tpu.contract_precision<fp32>, transpose_lhs_hint = false} : vector<1000x128xf32>, vector<128x128xf32>, vector<1000x128xf32> -> vector<1000x128xf32>
    %add3A_32 = arith.addf %add3A_23, %dot_general3A_31 : vector<1000x128xf32>
    %neg3A = arith.constant 0.000000e+00 : f32
    %neg3A_33 = vector.broadcast %neg3A : f32 to vector<1000x128xf32>
    %neg3A_34 = arith.subf %neg3A_33, %add3A_32 : vector<1000x128xf32>
    %exp3A = math.exp %neg3A_34 : vector<1000x128xf32>
    %add3A_35 = arith.constant 1.000000e+00 : f32
    %add3A_36 = vector.broadcast %add3A_35 : f32 to vector<1000x128xf32>
    %add3A_37 = arith.addf %add3A_36, %exp3A : vector<1000x128xf32>
    %div3A_38 = arith.constant 1.000000e+00 : f32
    %div3A_39 = vector.broadcast %div3A_38 : f32 to vector<1000x128xf32>
    %div3A_40 = arith.divf %div3A_39, %add3A_37 : vector<1000x128xf32>
    %swap3A = arith.constant 0 : index
    %swap3A_41 = arith.constant 0 : index
    %swap3A_42 = vector.load %arg9[%swap3A, %swap3A_41] : memref<1000x128xf32, #tpu.memory_space<vmem>>, vector<1000x128xf32>
    tpu.vector_store %arg9[%swap3A, %swap3A_41], %div3A_40 {strides = array<i32>} : memref<1000x128xf32, #tpu.memory_space<vmem>>, vector<1000x128xf32>,
    return
  }
  func.func @transform_0(%arg0: i32) -> (i32, i32) {
    %c0_i32 = arith.constant 0 : i32
    %c0_i32_0 = arith.constant 0 : i32
    return %arg0, %c0_i32 : i32, i32
  }
  func.func @transform_1(%arg0: i32) -> (i32, i32) {
    %c0_i32 = arith.constant 0 : i32
    %c0_i32_0 = arith.constant 0 : i32
    return %arg0, %c0_i32 : i32, i32
  }
  func.func @transform_2(%arg0: i32) -> (i32, i32) {
    %c0_i32 = arith.constant 0 : i32
    %c0_i32_0 = arith.constant 0 : i32
    return %arg0, %c0_i32 : i32, i32
  }
  func.func @transform_3(%arg0: i32) -> (i32, i32) {
    %c0_i32 = arith.constant 0 : i32
    %c0_i32_0 = arith.constant 0 : i32
    return %arg0, %c0_i32 : i32, i32
  }
  func.func @transform_4(%arg0: i32) -> (i32, i32) {
    %c0_i32 = arith.constant 0 : i32
    %c0_i32_0 = arith.constant 0 : i32
    return %arg0, %c0_i32 : i32, i32
  }
  func.func @transform_5(%arg0: i32) -> (i32, i32) {
    %c0_i32 = arith.constant 0 : i32
    %c0_i32_0 = arith.constant 0 : i32
    %c0_i32_1 = arith.constant 0 : i32
    return %c0_i32, %c0_i32_0 : i32, i32
  }
  func.func @transform_6(%arg0: i32) -> (i32, i32) {
    %c0_i32 = arith.constant 0 : i32
    %c0_i32_0 = arith.constant 0 : i32
    %c0_i32_1 = arith.constant 0 : i32
    return %c0_i32, %c0_i32_0 : i32, i32
  }
  func.func @transform_7(%arg0: i32) -> (i32, i32) {
    %c0_i32 = arith.constant 0 : i32
    %c0_i32_0 = arith.constant 0 : i32
    %c0_i32_1 = arith.constant 0 : i32
    return %c0_i32, %c0_i32_0 : i32, i32
  }
  func.func @transform_8(%arg0: i32) -> (i32, i32) {
    %c0_i32 = arith.constant 0 : i32
    %c0_i32_0 = arith.constant 0 : i32
    return %arg0, %c0_i32 : i32, i32
  }
}

</mosaic_0001>

<sc_bundles>
// kernel: kernel.6.cloned.1.call-start
scs
__scs_entry_jumppad:
0x0: {  	(pc) =	sbr.rel $0x88, $3  }
0x1: {  	(tag) =	ssettag $0x0;
	lr =	simm.s32 $0x1  }
0x2: {  	[smem:$0x3F99] =	sst lr;
	_ =	strace $0xD0000000  }
0x3: {  	_ = 	snop  }
0x4: {  	_ = 	snop  }
0x5: {  	_ = 	snop  }
0x6: {  	_ = 	snop  }
0x7: {  	_ = 	snop  }
__scs_overlays_trampoline_lowered:
0x8: {  	[smem:$0x3FA8] =	sst s0  }
0x9: {  	[smem:$0x3FA9] =	sst s1  }
0xa: {  	[smem:$0x3FAA] =	sst s2  }
0xb: {  	[smem:$0x3FAB] =	sst s3  }
0xc: {  	[smem:$0x3FAC] =	sst s4  }
0xd: {  	[smem:$0x3FAD] =	sst s5  }
0xe: {  	[smem:$0x3FAE] =	sst s6  }
0xf: {  	[smem:$0x3FAF] =	sst s7  }
0x10: {  	[smem:$0x3FB0] =	sst s8  }
0x11: {  	[smem:$0x3FB1] =	sst s9;
	s0 =	simm.s32 @!p0 $0x0  }
0x12: {  	s1 =	sld [smem:$0x3F97];
	s0 =	simm.s32 @p0 $0x1  }
0x13: {  	[smem:$0x3FB2] =	sst s0;
	s0 =	simm.s32 @!p1 $0x0  }
0x14: {  	s2 =	sld [smem:$0x3F96];
	s0 =	simm.s32 @p1 $0x1  }
0x15: {  	[smem:$0x3FB3] =	sst s0;
	s0 =	simm.s32 @!p2 $0x0  }
0x16: {  	s3 =	sld [smem:$0x3FDB];
	s0 =	simm.s32 @p2 $0x1  }
0x17: {  	s4 =	simm.s32 $0x1BF5;
	[smem:$0x3FB5] =	sst s0  }
0x18: {  	s0 =	sld [smem:$0x3F98];
	_ =	swait.ge [sflag:s4], $0x0  }
0x19: {  	s7 =	sld [smem:$0x3F99]  }
0x1a: {  	s8 =	sadd.s32 $0xFFFFE003, lr  }
0x1b: {  	s9 =	sadd.s32 $0xFFFFFEF7, lr;
	s5 =	simm.s32 $0xFFFFFFFF;
	p2 =	slt.u32 s8, $0xFFFFF086  }
0x1c: {  	p1 =	slt.u32 s9, $0xF7A;
	s5 =	simm.s32 @!p2 $0x0  }
0x1d: {  	s5 =	simm.s32 @p1 $0x1;
	p0 =	seq.s32 s7, s2  }
0x1e: {  	s7 =	smul.u32 @!p0 $0xF7A, s2;
	p2 =	seq.s32 @!p0 s5, $0x0  }
0x1f: {  	s9 =	smul.u32 $0xF7A, s1;
	s8 =	simm.s32 @!p0 $0x1BF5;
	p2 =	por !p2, p0  }
0x20: {  	[sflag:s8] =	ssyncset.s32 @!p0 $0xFFFFF086;
	s6 =	sadd.s32 @!p0 s3, s7;
	s7 =	simm.s32 @!p0 $0x108  }
0x21: {  	s3 =	sadd.s32 s3, s9;
	s6 =	sadd.s32 @!p0 $0x88, s6;
	s7 =	simm.s32 @p2 $0x1082  }
0x22: {  	[simem:s7], [sflag:s8] =	dma.local @!p0 [hbm:s6], $0xF7A  }
0x23: {  	s9 =	sor.u32 $0xD0000000, s2;
	s6 =	simm.s32 $0x108;
	_ =	swait.ge @!p0 [sflag:s8], $0x0  }
0x24: {  	s3 =	sadd.s32 $0x88, s3;
	s6 =	simm.s32 @!p1 $0x1082;
	[sflag:s4] =	ssyncset.s32 $0xFFFFF086  }
0x25: {  	[simem:s6], [sflag:s4] =	dma.local [hbm:s3], $0xF7A  }
0x26: {  	[smem:$0x3F99] =	sst s1;
	(tag) =	ssettag s2;
	_ =	strace s9  }
0x27: {  	s1 =	sld [smem:$0x3FA9]  }
0x28: {  	s2 =	sld [smem:$0x3FAA]  }
0x29: {  	s4 =	sld [smem:$0x3FAC]  }
0x2a: {  	p0 =	seq.s32 s5, $0x0;
	s5 =	sld [smem:$0x3FAD]  }
0x2b: {  	s6 =	sld [smem:$0x3FAE]  }
0x2c: {  	s7 =	sld [smem:$0x3FAF]  }
0x2d: {  	s3 =	simm.s32 $0x108;
	s8 =	sld [smem:$0x3FB0]  }
0x2e: {  	s3 =	simm.s32 @!p0 $0x1082;
	s9 =	sld [smem:$0x3FB1]  }
0x2f: {  	lr =	sadd.s32 s0, s3;
	s0 =	sld [smem:$0x3FA8]  }
0x30: {  	s3 =	sld [smem:$0x3FAB]  }
0x31: {  	[smem:$0x3FB4] =	sst s10  }
0x32: {  	s10 =	sld [smem:$0x3FB2];
	_ =	sdelay $0x3  }
0x33: {  	p0 =	seq.s32 s10, $0x1;
	s10 =	sld [smem:$0x3FB4];
	_ =	sdelay $0x3  }
0x34: {  	[smem:$0x3FB4] =	sst s10  }
0x35: {  	s10 =	sld [smem:$0x3FB3];
	_ =	sdelay $0x3  }
0x36: {  	p1 =	seq.s32 s10, $0x1;
	s10 =	sld [smem:$0x3FB4];
	_ =	sdelay $0x3  }
0x37: {  	[smem:$0x3FB4] =	sst s10  }
0x38: {  	s10 =	sld [smem:$0x3FB5]  }
0x39: {  	_ = 	snop;
	(pc) =	sbr.ind lr, $3  }
0x3a: {  	_ = 	snop  }
0x3b: {  	_ = 	snop  }
0x3c: {  	p2 =	seq.s32 s10, $0x1;
	s10 =	sld [smem:$0x3FB4]  }
0x3d: {  	_ =	shalt  }
0x3e: {  	_ =	shalt  }
0x3f: {  	_ =	shalt  }
0x40: {  	_ =	shalt  }
0x41: {  	_ =	shalt  }
0x42: {  	_ =	shalt  }
0x43: {  	_ =	shalt  }
0x44: {  	_ =	shalt  }
0x45: {  	_ =	shalt  }
0x46: {  	_ =	shalt  }
0x47: {  	_ =	shalt  }
0x48: {  	_ =	shalt  }
0x49: {  	_ =	shalt  }
0x4a: {  	_ =	shalt  }
0x4b: {  	_ =	shalt  }
0x4c: {  	_ =	shalt  }
0x4d: {  	_ =	shalt  }
0x4e: {  	_ =	shalt  }
0x4f: {  	_ =	shalt  }
0x50: {  	_ =	shalt  }
0x51: {  	_ =	shalt  }
0x52: {  	_ =	shalt  }
0x53: {  	_ =	shalt  }
0x54: {  	_ =	shalt  }
0x55: {  	_ =	shalt  }
0x56: {  	_ =	shalt  }
0x57: {  	_ =	shalt  }
0x58: {  	_ =	shalt  }
0x59: {  	_ =	shalt  }
0x5a: {  	_ =	shalt  }
0x5b: {  	_ =	shalt  }
0x5c: {  	_ =	shalt  }
0x5d: {  	_ =	shalt  }
0x5e: {  	_ =	shalt  }
0x5f: {  	_ =	shalt  }
0x60: {  	_ =	shalt  }
0x61: {  	_ =	shalt  }
0x62: {  	_ =	shalt  }
0x63: {  	_ =	shalt  }
0x64: {  	_ =	shalt  }
0x65: {  	_ =	shalt  }
0x66: {  	_ =	shalt  }
0x67: {  	_ =	shalt  }
0x68: {  	_ =	shalt  }
0x69: {  	_ =	shalt  }
0x6a: {  	_ =	shalt  }
0x6b: {  	_ =	shalt  }
0x6c: {  	_ =	shalt  }
0x6d: {  	_ =	shalt  }
0x6e: {  	_ =	shalt  }
0x6f: {  	_ =	shalt  }
0x70: {  	_ =	shalt  }
0x71: {  	_ =	shalt  }
0x72: {  	_ =	shalt  }
0x73: {  	_ =	shalt  }
0x74: {  	_ =	shalt  }
0x75: {  	_ =	shalt  }
0x76: {  	_ =	shalt  }
0x77: {  	_ =	shalt  }
0x78: {  	_ =	shalt  }
0x79: {  	_ =	shalt  }
0x7a: {  	_ =	shalt  }
0x7b: {  	_ =	shalt  }
0x7c: {  	_ =	shalt  }
0x7d: {  	_ =	shalt  }
0x7e: {  	_ =	shalt  }
0x7f: {  	_ =	shalt  }
0x80: {  	_ =	shalt  }
0x81: {  	_ =	shalt  }
0x82: {  	_ =	shalt  }
0x83: {  	_ =	shalt  }
0x84: {  	_ =	shalt  }
0x85: {  	_ =	shalt  }
0x86: {  	_ =	shalt  }
0x87: {  	_ =	shalt  }
.Lfunc_end0:
.L_simem_size_0:
called_computation_lowered:
.L_overlay_start_0:
0x88: {  	s2 =	sld [smem:$0x3FD9]  }
0x89: {  	s3 =	sld [smem:$0x3FFE];
	_ =	sdelay $0x1  }
0x8a: {  	s1 =	srdreg.scid  }
0x8b: {  	s0 =	sand.u32 $0x1, s1  }
0x8c: {  	s17 =	sshll.u32 s0, $0xA;
	s2 =	sadd.s32 s3, s2  }
0x8d: {  	s2 =	sadd.s32 s2, s17  }
0x8e: {  	[smem:$0x3FC0] =	sst s2  }
0x8f: {  	_ = 	snop  }
0x90: {  	s2 =	sld [smem:$0x3FC9]  }
0x91: {  	s18 =	sld [smem:$0x3FD0];
	(tm) =	ssettm $0x1  }
0x92: {  	s4 =	sld [smem:$0x3FFB];
	_ =	sdelay $0x3  }
0x93: {  	_ =	strace s4  }
0x94: {  	s4 =	sld [smem:$0x3FFC];
	_ =	sdelay $0x3  }
0x95: {  	_ =	strace s4  }
0x96: {  	s4 =	sld [smem:$0x3FFD];
	_ =	sdelay $0x3  }
0x97: {  	_ =	strace s4  }
0x98: {  	_ =	strace $0x8FFFFFFF  }
0x99: {  	s19 =	sld [smem:$0x3FDB];
	_ =	sdelay $0x1  }
0x9a: {  	s5 =	simm.s32 $_scs_section_size  }
0x9b: {  	s6 =	simm.s32 $_size__tile_overlayer_lowered;
	s7 =	simm.s32 $_tile_overlayer_lowered  }
0x9c: {  	s22 =	simm.s32 $0x1BFF;
	s21 =	sshll.u32 s7, $0x1;
	s4 =	sadd.s32 s5, s19  }
0x9d: {  	s8 =	simm.s32 $0x0;
	s20 =	sshll.u32 s6, $0x1;
	s6 =	sadd.s32 s21, s4  }
0x9e: {  	[timem:s8], [sflag:s22] =	dma.local [hbm:s6], s20  }
0x9f: {  	_ =	swait.ge [sflag:s22], s20  }
0xa0: {  	s5 =	ssub.s32 $0x0, s20;
	[sflag:s22] =	ssyncset.done $0x0  }
0xa1: {  	[sflag:s22] =	ssyncadd.s32 s5;
	_ =	sdelay $0x1  }
0xa2: {  	s23 =	simm.s32 $0x1B8B  }
0xa3: {  	_ =	swait.ge [sflag:s23], $0x1  }
0xa4: {  	[sflag:s23] =	ssyncset.done $0x0  }
0xa5: {  	s25 =	simm.s32 $0x1B8E;
	s24 =	sld [smem:$0x3FFE];
	[sflag:s23] =	ssyncadd.s32 $0xFFFFFFFF  }
0xa6: {  	s26 =	simm.s32 $execute0_lowered;
	[smem:$0x3FD2] =	sst s25  }
0xa7: {  	s6 =	sshll.u32 s26, $0x1;
	_ =	strace $0x80000046;
	[dreg:$0x1] =	wrdreg $0xFFFFFFFF  }
0xa8: {  	s28 =	simm.s32 $_size_execute0_lowered;
	s4 =	sadd.s32 s4, s6;
	[dreg:$0x0] =	wrdreg $0x0  }
0xa9: {  	s6 =	sshll.u32 s28, $0x1;
	[dreg:$0x2] =	wrdreg s4  }
0xaa: {  	[dreg:$0x3] =	wrdreg s6  }
0xab: {  	[dreg:$0x4] =	wrdreg $0xC0  }
0xac: {  	_ =	task [dreg:s8], $0x5FFFF  }
0xad: {  	[dreg:$0x1] =	wrdreg $0xFFFFFFFF  }
0xae: {  	[dreg:$0x0] =	wrdreg $0x60  }
0xaf: {  	[dreg:$0x2] =	wrdreg s2  }
0xb0: {  	[dreg:$0x3] =	wrdreg s24  }
0xb1: {  	[dreg:$0x4] =	wrdreg s18  }
0xb2: {  	[dreg:$0x5] =	wrdreg $0x93800  }
0xb3: {  	[dreg:$0x6] =	wrdreg $0x1CF800  }
0xb4: {  	[dreg:$0x7] =	wrdreg $0x9  }
0xb5: {  	_ =	task.clear_ibuf [dreg:s8], $0x8FFFF;
	_ =	strace $0x90000046  }
0xb6: {  	s29 =	simm.s32 $0x9;
	_ =	strace $0x80000048  }
0xb7: {  	_ =	swait.ge [sflag:s29], $0x1  }
0xb8: {  	[sflag:s29] =	ssyncadd.s32 $0xFFFFFFFF  }
0xb9: {  	_ =	strace $0x90000048  }
0xba: {  	_ =	sfence  }
0xbb: {  	s30 =	sld [smem:$0x0];
	_ =	sdelay $0x2  }
0xbc: {  	s31 =	sshll.u32 s1, $0xD;
	s1 =	sshrl.u32 s1, $0x2  }
0xbd: {  	s3 =	sand.u32 $0x4000, s31;
	s1 =	sadd.s32 s1, s30  }
0xbe: {  	s0 =	sor.u32 s3, s0;
	s1 =	sshll.u32 s1, $0x11  }
0xbf: {  	s0 =	sor.u32 s1, s0  }
0xc0: {  	s0 =	sadd.s32 $0x8F2B, s0  }
0xc1: {  	[sflag:s0] =	ssyncadd.remote.s32 $0x1  }
0xc2: {  	_ =	sfence.sel $0xFFFF  }
0xc3: {  	[dreg:$0x0] =	wrdreg $0xFFFFFFFF;
	(pc) =	sbr.abs _section_cstart, $3  }
0xc4: {  	[dreg:$0x1] =	wrdreg $0xFFFFFFFF  }
0xc5: {  	_ =	task.clear_ibuf [dreg:s8], $0x2FFFF;
	_ =	strace $0x9FFFFFFF  }
0xc6: {  	(tm) =	ssettm $0x7FFFFFFF  }
0xc7: {  	_ =	shalt  }
tec
execute0_lowered:
.L_overlay_start_1:
0x0: {  	(tag) =	ssettag $0x1  }
0x1: {  	s0 =	rddreg [dreg:$0x0]  }
0x2: {  	s6 =	rddreg [dreg:$0x1]  }
0x3: {  	s1 =	srdreg.scid;
	s12 =	rddreg [dreg:$0x2]  }
0x4: {  	s3 =	rddreg [dreg:$0x3];
	s7 =	sand.u32 $0x1, s1;
	s1 =	stileid.u32  }
0x5: {  	s4 =	rddreg [dreg:$0x4];
	s5 =	simm.s32 $0x0;
	s9 =	smul.u32 $0x13C00, s1  }
0x6: {  	s17 =	simm.s32 $0x2800;
	s18 =	simm.s32 $0x80;
	s10 =	smul.u32 $0x13C000, s7  }
0x7: {  	s19 =	simm.s32 $0x5000;
	s20 =	simm.s32 $0x1;
	s23 =	smul.u32 $0x4F000, s1  }
0x8: {  	[smem:$0x7FF] =	sst s5;
	s2 =	sshll.u32 s7, $0x4;
	s25 =	smul.u32 $0x278, s1  }
0x9: {  	s22 =	ssub.s32 $0x2, s7;
	s28 =	smul.u32 $0x2780, s7;
	s29 =	sshll.u32 s1, $0x6  }
0xa: {  	s2 =	sor.u32 s1, s2;
	s24 =	sshrl.u32 s22, $0x1;
	s7 =	sor.u32 $0x1C02, s29  }
0xb: {  	s8 =	smul.u32 $0x2800, s2;
	s2 =	rddreg [dreg:$0x5];
	_ =	strace $0x80000047  }
0xc: {  	s11 =	sshrl.u32 s9, $0x3;
	s9 =	sadd.s32 s9, s10;
	s15 =	ssub.s32 s22, s24  }
0xd: {  	s26 =	sshrl.u32 s23, $0x2;
	s30 =	sadd.s32 s25, s28;
	s22 =	simm.s32 $0x0  }
0xe: {  	s21 =	sadd.s32 s11, s6;
	s9 =	sshrl.u32 s9, $0x3;
	s16 =	sadd.s32 s26, s3  }
0xf: {  	s31 =	sshrl.u32 s30, $0x3;
	s8 =	sshrl.u32 s8, $0x3;
	s14 =	sadd.s32 s9, s6  }
0x10: {  	s12 =	sadd.s32 s12, s31;
	s13 =	sadd.s32 s8, s6;
	s6 =	sadd.s32 $0x17800, s21  }
0x11: {  	s8 =	sadd.s32 s25, s4;
	s11 =	sadd.s32 $0x3F000, s14;
	s14 =	sshrl.u32 s16, $0x3  }
0x12: {  	s16 =	simm.s32 $0x9080;
	s21 =	simm.s32 $0x9000;
	s9 =	sadd.s32 $0x3800, s13  }
0x13: {  	v0 =	vimm.f32 $1.000000000e+00;
	v1 =	vimm.f32 $0.0e+00;
	s10 =	sadd.s32 $0xD800, s13;
	s13 =	smax.u32 s15, $0x1;
	s15 =	simm.s32 $0x2  }
.LBB2_1:
0x14: {  	[tilespmem:$0x9000] =	vst v0  }
0x15: {  	[tilespmem:$0x9010] =	vst v0  }
0x16: {  	[tilespmem:$0x9020] =	vst v0  }
0x17: {  	[tilespmem:$0x9030] =	vst v0  }
0x18: {  	[tilespmem:$0x9040] =	vst v0  }
0x19: {  	[tilespmem:$0x9050] =	vst v0  }
0x1a: {  	[tilespmem:$0x9060] =	vst v0  }
0x1b: {  	[tilespmem:$0x9070] =	vst v0  }
0x1c: {  	[tilespmem:$0x9080] =	vst v1  }
0x1d: {  	[tilespmem:$0x9090] =	vst v1  }
0x1e: {  	[tilespmem:$0x90A0] =	vst v1  }
0x1f: {  	[tilespmem:$0x90B0] =	vst v1  }
0x20: {  	[tilespmem:$0x90C0] =	vst v1  }
0x21: {  	[tilespmem:$0x90D0] =	vst v1  }
0x22: {  	[tilespmem:$0x90E0] =	vst v1  }
0x23: {  	[tilespmem:$0x90F0] =	vst v1  }
0x24: {  	[tilespmem:$0x9100] =	vst v1  }
0x25: {  	[tilespmem:$0x9110] =	vst v1  }
0x26: {  	[tilespmem:$0x9120] =	vst v1  }
0x27: {  	[tilespmem:$0x9130] =	vst v1  }
0x28: {  	[tilespmem:$0x9140] =	vst v1  }
0x29: {  	[tilespmem:$0x9150] =	vst v1  }
0x2a: {  	[tilespmem:$0x9160] =	vst v1  }
0x2b: {  	[tilespmem:$0x9170] =	vst v1  }
0x2c: {  	[tilespmem:$0x9180] =	vst v1  }
0x2d: {  	[tilespmem:$0x9190] =	vst v1  }
0x2e: {  	[tilespmem:$0x91A0] =	vst v1  }
0x2f: {  	[tilespmem:$0x91B0] =	vst v1  }
0x30: {  	[tilespmem:$0x91C0] =	vst v1  }
0x31: {  	[tilespmem:$0x91D0] =	vst v1  }
0x32: {  	[tilespmem:$0x91E0] =	vst v1  }
0x33: {  	[tilespmem:$0x91F0] =	vst v1  }
0x34: {  	[tilespmem:$0x9200] =	vst v1  }
0x35: {  	[tilespmem:$0x9210] =	vst v1  }
0x36: {  	[tilespmem:$0x9220] =	vst v1  }
0x37: {  	[tilespmem:$0x9230] =	vst v1  }
0x38: {  	[tilespmem:$0x9240] =	vst v1  }
0x39: {  	[tilespmem:$0x9250] =	vst v1  }
0x3a: {  	[tilespmem:$0x9260] =	vst v1  }
0x3b: {  	[tilespmem:$0x9270] =	vst v1  }
0x3c: {  	[tilespmem:$0x9280] =	vst v1  }
0x3d: {  	[tilespmem:$0x9290] =	vst v1  }
0x3e: {  	[tilespmem:$0x92A0] =	vst v1  }
0x3f: {  	[tilespmem:$0x92B0] =	vst v1  }
0x40: {  	[tilespmem:$0x92C0] =	vst v1  }
0x41: {  	[tilespmem:$0x92D0] =	vst v1  }
0x42: {  	[tilespmem:$0x92E0] =	vst v1  }
0x43: {  	[tilespmem:$0x92F0] =	vst v1  }
0x44: {  	[spmem:s14], [sflag:s7] =	dma.local [hbm:s6], $0x2780  }
0x45: {  	_ =	swait.ge [sflag:s15], $0x2780  }
0x46: {  	[sflag:s15] =	ssyncset.done $0x0  }
0x47: {  	[sflag:s15] =	ssyncadd.s32 $0xFFFFD880  }
0x48: {  	[spmem:s8] =	stream.linear.scatter [tilespmem:s16], [sflag:$0x2], $0x278, $0x38;
	[tilespmem:$0x1D1F8] =	vst v63  }
0x49: {  	_ =	swait.ge [sflag:s15], $0x278  }
0x4a: {  	[sflag:s15] =	ssyncset.done $0x0  }
0x4b: {  	[sflag:s15] =	ssyncadd.s32 $0xFFFFFD88  }
0x4c: {  	[tilespmem:s5], [sflag:$0x2] =	stream.linear.gather [hbm4b:s9+s5], $0x2800, $0x38;
	[tilespmem:$0x1D1F8] =	vst v63  }
0x4d: {  	_ =	swait.ge [sflag:s15], $0x2800  }
0x4e: {  	[sflag:s15] =	ssyncset.done $0x0  }
0x4f: {  	[sflag:s15] =	ssyncadd.s32 $0xFFFFD800  }
0x50: {  	[tilespmem:s17], [sflag:$0x2] =	stream.linear.gather [hbm4b:s10+s5], $0x2800, $0x38;
	[tilespmem:$0x1D1F8] =	vst v63  }
0x51: {  	_ =	swait.ge [sflag:s15], $0x2800  }
0x52: {  	[sflag:s15] =	ssyncset.done $0x0  }
0x53: {  	[sflag:s15] =	ssyncadd.s32 $0xFFFFD800  }
0x54: {  	s23 =	simm.s32 $0x0;
	[bflag:$0x0] =	sbarrier.arrive $0xFFFF  }
0x55: {  	[tilespmem:s19], [sflag:$0x1] =	stream.indirect.gather [hbm4b:s0+s18], $0x80, s23, s18, $0xb8;
	[tilespmem:$0x1D1F8] =	vst v63  }
0x56: {  	_ =	swait.ge [sflag:s20], $0x4000  }
0x57: {  	[sflag:s20] =	ssyncset.done $0x0  }
0x58: {  	s29 =	simm.s32 $0x2800;
	[sflag:s20] =	ssyncadd.s32 $0xFFFFC000  }
0x59: {  	[spmem:s3] =	stream.indirect.scatter.add.f32 [tilespmem:s19], [sflag:$0x2], $0x80, s29, s18, $0xb8;
	[tilespmem:$0x1D1F8] =	vst v63  }
0x5a: {  	_ =	swait.ge [sflag:s15], $0x4000  }
0x5b: {  	[sflag:s15] =	ssyncset.done $0x0  }
0x5c: {  	[sflag:s15] =	ssyncadd.s32 $0xFFFFC000  }
0x5d: {  	[spmem:s4] =	stream.indirect.scatter.add.f32 [tilespmem:s21], [sflag:$0x2], $0x1, s29, s18, $0xb8;
	[tilespmem:$0x1D1F8] =	vst v63  }
0x5e: {  	_ =	swait.ge [sflag:s15], $0x80  }
0x5f: {  	[sflag:s15] =	ssyncset.done $0x0  }
0x60: {  	s30 =	simm.s32 $0x80;
	[sflag:s15] =	ssyncadd.s32 $0xFFFFFF80  }
0x61: {  	[tilespmem:s19], [sflag:$0x1] =	stream.indirect.gather [hbm4b:s0+s18], $0x80, s30, s18, $0xb8;
	[tilespmem:$0x1D1F8] =	vst v63  }
0x62: {  	_ =	swait.ge [sflag:s20], $0x4000  }
0x63: {  	[sflag:s20] =	ssyncset.done $0x0  }
0x64: {  	s31 =	simm.s32 $0x2880;
	[sflag:s20] =	ssyncadd.s32 $0xFFFFC000  }
0x65: {  	[spmem:s3] =	stream.indirect.scatter.add.f32 [tilespmem:s19], [sflag:$0x2], $0x80, s31, s18, $0xb8;
	[tilespmem:$0x1D1F8] =	vst v63  }
0x66: {  	_ =	swait.ge [sflag:s15], $0x4000  }
0x67: {  	[sflag:s15] =	ssyncset.done $0x0  }
0x68: {  	[sflag:s15] =	ssyncadd.s32 $0xFFFFC000  }
0x69: {  	[spmem:s4] =	stream.indirect.scatter.add.f32 [tilespmem:s21], [sflag:$0x2], $0x1, s31, s18, $0xb8;
	[tilespmem:$0x1D1F8] =	vst v63  }
0x6a: {  	_ =	swait.ge [sflag:s15], $0x80  }
0x6b: {  	s24 =	simm.s32 $0x800;
	s23 =	simm.s32 $0x400;
	[sflag:s15] =	ssyncset.done $0x0  }
.LBB2_2:
0x6c: {  	s25 =	sshra.s32 s23, $0x2  }
0x6d: {  	[sflag:s15] =	ssyncadd.s32 $0xFFFFFF80;
	s23 =	smov.u32 s24;
	s26 =	sadd.s32 $0x400, s24  }
0x6e: {  	[tilespmem:s19], [sflag:$0x1] =	stream.indirect.gather [hbm4b:s0+s18], $0x80, s25, s18, $0xb8;
	[tilespmem:$0x1D1F8] =	vst v63  }
0x6f: {  	p0 =	sne.s32 s24, $0x9C00;
	_ =	swait.ge [sflag:s20], $0x4000  }
0x70: {  	[sflag:s20] =	ssyncset.done $0x0  }
0x71: {  	s24 =	sadd.s32 $0x2800, s25;
	[sflag:s20] =	ssyncadd.s32 $0xFFFFC000  }
0x72: {  	[spmem:s3] =	stream.indirect.scatter.add.f32 [tilespmem:s19], [sflag:$0x2], $0x80, s24, s18, $0xb8;
	[tilespmem:$0x1D1F8] =	vst v63  }
0x73: {  	_ =	swait.ge [sflag:s15], $0x4000  }
0x74: {  	[sflag:s15] =	ssyncset.done $0x0  }
0x75: {  	[sflag:s15] =	ssyncadd.s32 $0xFFFFC000  }
0x76: {  	[spmem:s4] =	stream.indirect.scatter.add.f32 [tilespmem:s21], [sflag:$0x2], $0x1, s24, s18, $0xb8;
	[tilespmem:$0x1D1F8] =	vst v63  }
0x77: {  	_ =	swait.ge [sflag:s15], $0x80  }
0x78: {  	[sflag:s15] =	ssyncset.done $0x0  }
0x79: {  	s24 =	sadd.s32 $0x80, s25;
	[sflag:s15] =	ssyncadd.s32 $0xFFFFFF80  }
0x7a: {  	[tilespmem:s19], [sflag:$0x1] =	stream.indirect.gather [hbm4b:s0+s18], $0x80, s24, s18, $0xb8;
	[tilespmem:$0x1D1F8] =	vst v63  }
0x7b: {  	_ =	swait.ge [sflag:s20], $0x4000  }
0x7c: {  	[sflag:s20] =	ssyncset.done $0x0  }
0x7d: {  	s24 =	sadd.s32 $0x2880, s25;
	[sflag:s20] =	ssyncadd.s32 $0xFFFFC000  }
0x7e: {  	[spmem:s3] =	stream.indirect.scatter.add.f32 [tilespmem:s19], [sflag:$0x2], $0x80, s24, s18, $0xb8;
	[tilespmem:$0x1D1F8] =	vst v63  }
0x7f: {  	_ =	swait.ge [sflag:s15], $0x4000  }
.Ltmp0:
0x80: {  	[sflag:s15] =	ssyncset.done $0x0;
	(pc) =	sbr.rel @p0 .LBB2_2-.Ltmp0, $4  }
0x81: {  	[sflag:s15] =	ssyncadd.s32 $0xFFFFC000  }
0x82: {  	[spmem:s4] =	stream.indirect.scatter.add.f32 [tilespmem:s21], [sflag:$0x2], $0x1, s24, s18, $0xb8;
	[tilespmem:$0x1D1F8] =	vst v63  }
0x83: {  	_ =	swait.ge [sflag:s15], $0x80  }
0x84: {  	s24 =	smov.u32 s26;
	[sflag:s15] =	ssyncset.done $0x0  }
0x85: {  	s23 =	sshra.s32 s23, $0x2;
	[sflag:s15] =	ssyncadd.s32 $0xFFFFFF80  }
0x86: {  	[tilespmem:s19], [sflag:$0x1] =	stream.indirect.gather [hbm4b:s0+s18], $0x80, s23, s18, $0xb8;
	[tilespmem:$0x1D1F8] =	vst v63  }
0x87: {  	_ =	swait.ge [sflag:s20], $0x4000  }
0x88: {  	[sflag:s20] =	ssyncset.done $0x0  }
0x89: {  	s24 =	sadd.s32 $0x2800, s23;
	[sflag:s20] =	ssyncadd.s32 $0xFFFFC000  }
0x8a: {  	[spmem:s3] =	stream.indirect.scatter.add.f32 [tilespmem:s19], [sflag:$0x2], $0x80, s24, s18, $0xb8;
	[tilespmem:$0x1D1F8] =	vst v63  }
0x8b: {  	_ =	swait.ge [sflag:s15], $0x4000  }
0x8c: {  	[sflag:s15] =	ssyncset.done $0x0  }
0x8d: {  	[sflag:s15] =	ssyncadd.s32 $0xFFFFC000  }
0x8e: {  	[spmem:s4] =	stream.indirect.scatter.add.f32 [tilespmem:s21], [sflag:$0x2], $0x1, s24, s18, $0xb8;
	[tilespmem:$0x1D1F8] =	vst v63  }
0x8f: {  	_ =	swait.ge [sflag:s15], $0x80  }
0x90: {  	[sflag:s15] =	ssyncset.done $0x0  }
0x91: {  	s31 =	sadd.s32 $0x80, s23;
	[sflag:s15] =	ssyncadd.s32 $0xFFFFFF80  }
0x92: {  	[tilespmem:s19], [sflag:$0x1] =	stream.indirect.gather [hbm4b:s0+s18], $0x80, s31, s18, $0xb8;
	[tilespmem:$0x1D1F8] =	vst v63  }
0x93: {  	_ =	swait.ge [sflag:s20], $0x4000  }
0x94: {  	[sflag:s20] =	ssyncset.done $0x0  }
0x95: {  	s23 =	sadd.s32 $0x2880, s23;
	[sflag:s20] =	ssyncadd.s32 $0xFFFFC000  }
0x96: {  	[spmem:s3] =	stream.indirect.scatter.add.f32 [tilespmem:s19], [sflag:$0x2], $0x80, s23, s18, $0xb8;
	[tilespmem:$0x1D1F8] =	vst v63  }
0x97: {  	_ =	swait.ge [sflag:s15], $0x4000  }
0x98: {  	[sflag:s15] =	ssyncset.done $0x0  }
0x99: {  	[sflag:s15] =	ssyncadd.s32 $0xFFFFC000  }
0x9a: {  	[spmem:s4] =	stream.indirect.scatter.add.f32 [tilespmem:s21], [sflag:$0x2], $0x1, s23, s18, $0xb8;
	[tilespmem:$0x1D1F8] =	vst v63  }
0x9b: {  	_ =	swait.ge [sflag:s15], $0x80  }
0x9c: {  	[sflag:s15] =	ssyncset.done $0x0  }
0x9d: {  	[sflag:s15] =	ssyncadd.s32 $0xFFFFFF80  }
0x9e: {  	[bflag:$0x0] =	sbarrier.arrive $0xFFFF  }
0x9f: {  	[hbm:s11], [sflag:s7] =	dma.local [spmem:s14], $0x2780  }
0xa0: {  	_ =	swait.ge [sflag:s15], $0x2780  }
0xa1: {  	[sflag:s15] =	ssyncset.done $0x0  }
0xa2: {  	[sflag:s15] =	ssyncadd.s32 $0xFFFFD880  }
0xa3: {  	[tilespmem:s16], [sflag:$0x2] =	stream.linear.gather [spmem:s8], $0x278, $0x38;
	[tilespmem:$0x1D1F8] =	vst v63  }
0xa4: {  	s22 =	sadd.s32 $0x1, s22;
	_ =	swait.ge [sflag:s15], $0x278  }
0xa5: {  	p0 =	sne.s32 s22, s13;
	[sflag:s15] =	ssyncset.done $0x0  }
.Ltmp1:
0xa6: {  	[sflag:s15] =	ssyncadd.s32 $0xFFFFFD88;
	(pc) =	sbr.rel @p0 .LBB2_1-.Ltmp1, $4  }
0xa7: {  	[hbm4b:s12+s5] =	stream.linear.scatter [tilespmem:s16], [sflag:$0x2], $0x278, $0x38;
	[tilespmem:$0x1D1F8] =	vst v63  }
0xa8: {  	_ =	swait.ge [sflag:s15], $0x278  }
0xa9: {  	[sflag:s15] =	ssyncset.done $0x0  }
0xaa: {  	[sflag:s15] =	ssyncadd.s32 $0xFFFFFD88  }
0xab: {  	_ =	sfence.sel $0x180000  }
0xac: {  	[bflag:$0x0] =	sbarrier.arrive $0xFFFF  }
0xad: {  	p0 =	sne.s32 s1, $0x0;
	_ =	strace $0x90000047  }
0xae: {  	s0 =	sadd.s32 @!p0 $0x100000, s2;
	[bflag:$0x2] =	sbarrier.arrive $0xFFFF  }
0xaf: {  	[sflag:s0] =	ssyncadd.tile.s32 @!p0 $0x1;
	_ =	shalt  }
.Lfunc_end2:
_tile_overlayer_lowered:
.L_overlay_start_2:
0xb0: {  	(tag) =	ssettag $0x2  }
0xb1: {  	s0 =	rddreg [dreg:$0x0];
	s2 =	stileid.u32  }
0xb2: {  	s1 =	rddreg [dreg:$0x1];
	p0 =	sne.s32 s2, $0x0  }
0xb3: {  	s3 =	rddreg [dreg:$0x2];
	[bflag:$0x3] =	sbarrier.arrive $0xFFFF;
	s2 =	simm.s32 @!p0 $0x1C02  }
0xb4: {  	[timem:s3], [sflag:s2] =	dma.local @!p0 [hbm:s0], s1  }
0xb5: {  	s0 =	simm.s32 @!p0 $0x2  }
0xb6: {  	_ =	swait.ge @!p0 [sflag:s0], s1  }
0xb7: {  	s1 =	ssub.s32 @!p0 $0x0, s1;
	[sflag:s0] =	ssyncset.done @!p0 $0x0  }
0xb8: {  	[sflag:s0] =	ssyncadd.s32 @!p0 s1  }
0xb9: {  	[bflag:$0x3] =	sbarrier.arrive $0xFFFF  }
0xba: {  	_ =	shalt  }

// kernel: kernel.9.cloned.1.call-start
scs
__scs_entry_jumppad:
0x0: {  	(pc) =	sbr.rel $0x88, $3  }
0x1: {  	(tag) =	ssettag $0x0;
	lr =	simm.s32 $0x1  }
0x2: {  	[smem:$0x3F99] =	sst lr;
	_ =	strace $0xD0000000  }
0x3: {  	_ = 	snop  }
0x4: {  	_ = 	snop  }
0x5: {  	_ = 	snop  }
0x6: {  	_ = 	snop  }
0x7: {  	_ = 	snop  }
__scs_overlays_trampoline_lowered:
0x8: {  	[smem:$0x3FA8] =	sst s0  }
0x9: {  	[smem:$0x3FA9] =	sst s1  }
0xa: {  	[smem:$0x3FAA] =	sst s2  }
0xb: {  	[smem:$0x3FAB] =	sst s3  }
0xc: {  	[smem:$0x3FAC] =	sst s4  }
0xd: {  	[smem:$0x3FAD] =	sst s5  }
0xe: {  	[smem:$0x3FAE] =	sst s6  }
0xf: {  	[smem:$0x3FAF] =	sst s7  }
0x10: {  	[smem:$0x3FB0] =	sst s8  }
0x11: {  	[smem:$0x3FB1] =	sst s9;
	s0 =	simm.s32 @!p0 $0x0  }
0x12: {  	s1 =	sld [smem:$0x3F97];
	s0 =	simm.s32 @p0 $0x1  }
0x13: {  	[smem:$0x3FB2] =	sst s0;
	s0 =	simm.s32 @!p1 $0x0  }
0x14: {  	s2 =	sld [smem:$0x3F96];
	s0 =	simm.s32 @p1 $0x1  }
0x15: {  	[smem:$0x3FB3] =	sst s0;
	s0 =	simm.s32 @!p2 $0x0  }
0x16: {  	s3 =	sld [smem:$0x3FDB];
	s0 =	simm.s32 @p2 $0x1  }
0x17: {  	s4 =	simm.s32 $0x1BF5;
	[smem:$0x3FB5] =	sst s0  }
0x18: {  	s0 =	sld [smem:$0x3F98];
	_ =	swait.ge [sflag:s4], $0x0  }
0x19: {  	s7 =	sld [smem:$0x3F99]  }
0x1a: {  	s8 =	sadd.s32 $0xFFFFE003, lr  }
0x1b: {  	s9 =	sadd.s32 $0xFFFFFEF7, lr;
	s5 =	simm.s32 $0xFFFFFFFF;
	p2 =	slt.u32 s8, $0xFFFFF086  }
0x1c: {  	p1 =	slt.u32 s9, $0xF7A;
	s5 =	simm.s32 @!p2 $0x0  }
0x1d: {  	s5 =	simm.s32 @p1 $0x1;
	p0 =	seq.s32 s7, s2  }
0x1e: {  	s7 =	smul.u32 @!p0 $0xF7A, s2;
	p2 =	seq.s32 @!p0 s5, $0x0  }
0x1f: {  	s9 =	smul.u32 $0xF7A, s1;
	s8 =	simm.s32 @!p0 $0x1BF5;
	p2 =	por !p2, p0  }
0x20: {  	[sflag:s8] =	ssyncset.s32 @!p0 $0xFFFFF086;
	s6 =	sadd.s32 @!p0 s3, s7;
	s7 =	simm.s32 @!p0 $0x108  }
0x21: {  	s3 =	sadd.s32 s3, s9;
	s6 =	sadd.s32 @!p0 $0x88, s6;
	s7 =	simm.s32 @p2 $0x1082  }
0x22: {  	[simem:s7], [sflag:s8] =	dma.local @!p0 [hbm:s6], $0xF7A  }
0x23: {  	s9 =	sor.u32 $0xD0000000, s2;
	s6 =	simm.s32 $0x108;
	_ =	swait.ge @!p0 [sflag:s8], $0x0  }
0x24: {  	s3 =	sadd.s32 $0x88, s3;
	s6 =	simm.s32 @!p1 $0x1082;
	[sflag:s4] =	ssyncset.s32 $0xFFFFF086  }
0x25: {  	[simem:s6], [sflag:s4] =	dma.local [hbm:s3], $0xF7A  }
0x26: {  	[smem:$0x3F99] =	sst s1;
	(tag) =	ssettag s2;
	_ =	strace s9  }
0x27: {  	s1 =	sld [smem:$0x3FA9]  }
0x28: {  	s2 =	sld [smem:$0x3FAA]  }
0x29: {  	s4 =	sld [smem:$0x3FAC]  }
0x2a: {  	p0 =	seq.s32 s5, $0x0;
	s5 =	sld [smem:$0x3FAD]  }
0x2b: {  	s6 =	sld [smem:$0x3FAE]  }
0x2c: {  	s7 =	sld [smem:$0x3FAF]  }
0x2d: {  	s3 =	simm.s32 $0x108;
	s8 =	sld [smem:$0x3FB0]  }
0x2e: {  	s3 =	simm.s32 @!p0 $0x1082;
	s9 =	sld [smem:$0x3FB1]  }
0x2f: {  	lr =	sadd.s32 s0, s3;
	s0 =	sld [smem:$0x3FA8]  }
0x30: {  	s3 =	sld [smem:$0x3FAB]  }
0x31: {  	[smem:$0x3FB4] =	sst s10  }
0x32: {  	s10 =	sld [smem:$0x3FB2];
	_ =	sdelay $0x3  }
0x33: {  	p0 =	seq.s32 s10, $0x1;
	s10 =	sld [smem:$0x3FB4];
	_ =	sdelay $0x3  }
0x34: {  	[smem:$0x3FB4] =	sst s10  }
0x35: {  	s10 =	sld [smem:$0x3FB3];
	_ =	sdelay $0x3  }
0x36: {  	p1 =	seq.s32 s10, $0x1;
	s10 =	sld [smem:$0x3FB4];
	_ =	sdelay $0x3  }
0x37: {  	[smem:$0x3FB4] =	sst s10  }
0x38: {  	s10 =	sld [smem:$0x3FB5]  }
0x39: {  	_ = 	snop;
	(pc) =	sbr.ind lr, $3  }
0x3a: {  	_ = 	snop  }
0x3b: {  	_ = 	snop  }
0x3c: {  	p2 =	seq.s32 s10, $0x1;
	s10 =	sld [smem:$0x3FB4]  }
0x3d: {  	_ =	shalt  }
0x3e: {  	_ =	shalt  }
0x3f: {  	_ =	shalt  }
0x40: {  	_ =	shalt  }
0x41: {  	_ =	shalt  }
0x42: {  	_ =	shalt  }
0x43: {  	_ =	shalt  }
0x44: {  	_ =	shalt  }
0x45: {  	_ =	shalt  }
0x46: {  	_ =	shalt  }
0x47: {  	_ =	shalt  }
0x48: {  	_ =	shalt  }
0x49: {  	_ =	shalt  }
0x4a: {  	_ =	shalt  }
0x4b: {  	_ =	shalt  }
0x4c: {  	_ =	shalt  }
0x4d: {  	_ =	shalt  }
0x4e: {  	_ =	shalt  }
0x4f: {  	_ =	shalt  }
0x50: {  	_ =	shalt  }
0x51: {  	_ =	shalt  }
0x52: {  	_ =	shalt  }
0x53: {  	_ =	shalt  }
0x54: {  	_ =	shalt  }
0x55: {  	_ =	shalt  }
0x56: {  	_ =	shalt  }
0x57: {  	_ =	shalt  }
0x58: {  	_ =	shalt  }
0x59: {  	_ =	shalt  }
0x5a: {  	_ =	shalt  }
0x5b: {  	_ =	shalt  }
0x5c: {  	_ =	shalt  }
0x5d: {  	_ =	shalt  }
0x5e: {  	_ =	shalt  }
0x5f: {  	_ =	shalt  }
0x60: {  	_ =	shalt  }
0x61: {  	_ =	shalt  }
0x62: {  	_ =	shalt  }
0x63: {  	_ =	shalt  }
0x64: {  	_ =	shalt  }
0x65: {  	_ =	shalt  }
0x66: {  	_ =	shalt  }
0x67: {  	_ =	shalt  }
0x68: {  	_ =	shalt  }
0x69: {  	_ =	shalt  }
0x6a: {  	_ =	shalt  }
0x6b: {  	_ =	shalt  }
0x6c: {  	_ =	shalt  }
0x6d: {  	_ =	shalt  }
0x6e: {  	_ =	shalt  }
0x6f: {  	_ =	shalt  }
0x70: {  	_ =	shalt  }
0x71: {  	_ =	shalt  }
0x72: {  	_ =	shalt  }
0x73: {  	_ =	shalt  }
0x74: {  	_ =	shalt  }
0x75: {  	_ =	shalt  }
0x76: {  	_ =	shalt  }
0x77: {  	_ =	shalt  }
0x78: {  	_ =	shalt  }
0x79: {  	_ =	shalt  }
0x7a: {  	_ =	shalt  }
0x7b: {  	_ =	shalt  }
0x7c: {  	_ =	shalt  }
0x7d: {  	_ =	shalt  }
0x7e: {  	_ =	shalt  }
0x7f: {  	_ =	shalt  }
0x80: {  	_ =	shalt  }
0x81: {  	_ =	shalt  }
0x82: {  	_ =	shalt  }
0x83: {  	_ =	shalt  }
0x84: {  	_ =	shalt  }
0x85: {  	_ =	shalt  }
0x86: {  	_ =	shalt  }
0x87: {  	_ =	shalt  }
.Lfunc_end0:
.L_simem_size_0:
called_computation.1_lowered:
.L_overlay_start_0:
0x88: {  	s2 =	sld [smem:$0x3FD9]  }
0x89: {  	s3 =	sld [smem:$0x3FFE];
	_ =	sdelay $0x1  }
0x8a: {  	s1 =	srdreg.scid  }
0x8b: {  	s0 =	sand.u32 $0x1, s1  }
0x8c: {  	s17 =	sshll.u32 s0, $0xA;
	s2 =	sadd.s32 s3, s2  }
0x8d: {  	s2 =	sadd.s32 s2, s17  }
0x8e: {  	[smem:$0x3FC0] =	sst s2  }
0x8f: {  	_ = 	snop  }
0x90: {  	s2 =	sld [smem:$0x3FD0];
	(tm) =	ssettm $0x1  }
0x91: {  	s18 =	sld [smem:$0x3FFB];
	_ =	sdelay $0x3  }
0x92: {  	_ =	strace s18  }
0x93: {  	s3 =	sld [smem:$0x3FFC];
	_ =	sdelay $0x3  }
0x94: {  	_ =	strace s3  }
0x95: {  	s3 =	sld [smem:$0x3FFD];
	_ =	sdelay $0x3  }
0x96: {  	_ =	strace s3  }
0x97: {  	_ =	strace $0x8FFFFFFF  }
0x98: {  	s19 =	sld [smem:$0x3FDB];
	_ =	sdelay $0x1  }
0x99: {  	s4 =	simm.s32 $_scs_section_size  }
0x9a: {  	s5 =	simm.s32 $_size__tile_overlayer_lowered;
	s6 =	simm.s32 $_tile_overlayer_lowered  }
0x9b: {  	s22 =	simm.s32 $0x1BFF;
	s21 =	sshll.u32 s6, $0x1;
	s3 =	sadd.s32 s4, s19  }
0x9c: {  	s7 =	simm.s32 $0x0;
	s20 =	sshll.u32 s5, $0x1;
	s5 =	sadd.s32 s21, s3  }
0x9d: {  	[timem:s7], [sflag:s22] =	dma.local [hbm:s5], s20  }
0x9e: {  	_ =	swait.ge [sflag:s22], s20  }
0x9f: {  	s4 =	ssub.s32 $0x0, s20;
	[sflag:s22] =	ssyncset.done $0x0  }
0xa0: {  	[sflag:s22] =	ssyncadd.s32 s4;
	_ =	sdelay $0x1  }
0xa1: {  	s23 =	simm.s32 $0x1B8B  }
0xa2: {  	_ =	swait.ge [sflag:s23], $0x1  }
0xa3: {  	[sflag:s23] =	ssyncset.done $0x0  }
0xa4: {  	s25 =	simm.s32 $0x1B8E;
	s24 =	sld [smem:$0x3FFE];
	[sflag:s23] =	ssyncadd.s32 $0xFFFFFFFF  }
0xa5: {  	s26 =	simm.s32 $execute0_lowered;
	[smem:$0x3FD2] =	sst s25  }
0xa6: {  	s5 =	sshll.u32 s26, $0x1;
	_ =	strace $0x80000049;
	[dreg:$0x1] =	wrdreg $0xFFFFFFFF  }
0xa7: {  	s28 =	simm.s32 $_size_execute0_lowered;
	s3 =	sadd.s32 s3, s5;
	[dreg:$0x0] =	wrdreg $0x0  }
0xa8: {  	s5 =	sshll.u32 s28, $0x1;
	[dreg:$0x2] =	wrdreg s3  }
0xa9: {  	[dreg:$0x3] =	wrdreg s5  }
0xaa: {  	[dreg:$0x4] =	wrdreg $0xC0  }
0xab: {  	_ =	task [dreg:s7], $0x5FFFF  }
0xac: {  	[dreg:$0x1] =	wrdreg $0xFFFFFFFF  }
0xad: {  	[dreg:$0x0] =	wrdreg $0x60  }
0xae: {  	[dreg:$0x2] =	wrdreg s2  }
0xaf: {  	[dreg:$0x3] =	wrdreg s24  }
0xb0: {  	[dreg:$0x4] =	wrdreg $0x90000  }
0xb1: {  	[dreg:$0x5] =	wrdreg $0x9  }
0xb2: {  	_ =	task.clear_ibuf [dreg:s7], $0x6FFFF;
	_ =	strace $0x90000049  }
0xb3: {  	s29 =	simm.s32 $0x9;
	_ =	strace $0x8000004B  }
0xb4: {  	_ =	swait.ge [sflag:s29], $0x1  }
0xb5: {  	[sflag:s29] =	ssyncadd.s32 $0xFFFFFFFF  }
0xb6: {  	_ =	strace $0x9000004B  }
0xb7: {  	_ =	sfence  }
0xb8: {  	s30 =	sld [smem:$0x0];
	_ =	sdelay $0x2  }
0xb9: {  	s31 =	sshll.u32 s1, $0xD;
	s1 =	sshrl.u32 s1, $0x2  }
0xba: {  	s3 =	sand.u32 $0x4000, s31;
	s1 =	sadd.s32 s1, s30  }
0xbb: {  	s0 =	sor.u32 s3, s0;
	s1 =	sshll.u32 s1, $0x11  }
0xbc: {  	s0 =	sor.u32 s1, s0  }
0xbd: {  	s0 =	sadd.s32 $0x8F2B, s0  }
0xbe: {  	[sflag:s0] =	ssyncadd.remote.s32 $0x1  }
0xbf: {  	_ =	sfence.sel $0xFFFF  }
0xc0: {  	[dreg:$0x0] =	wrdreg $0xFFFFFFFF;
	(pc) =	sbr.abs _section_cstart, $3  }
0xc1: {  	[dreg:$0x1] =	wrdreg $0xFFFFFFFF  }
0xc2: {  	_ =	task.clear_ibuf [dreg:s7], $0x2FFFF;
	_ =	strace $0x9FFFFFFF  }
0xc3: {  	(tm) =	ssettm $0x7FFFFFFF  }
tec
execute0_lowered:
.L_overlay_start_1:
0x0: {  	(tag) =	ssettag $0x1  }
0x1: {  	s1 =	rddreg [dreg:$0x0]  }
0x2: {  	s0 =	srdreg.scid;
	s6 =	rddreg [dreg:$0x1]  }
0x3: {  	s3 =	rddreg [dreg:$0x2];
	s4 =	simm.s32 $0x0;
	s14 =	simm.s32 $0x80  }
0x4: {  	s15 =	simm.s32 $0x5000;
	s5 =	sand.u32 $0x1, s0;
	s0 =	stileid.u32  }
0x5: {  	s16 =	simm.s32 $0x1;
	s17 =	simm.s32 $0x0;
	s8 =	smul.u32 $0x13C00, s0  }
0x6: {  	[smem:$0x7FF] =	sst s4;
	s2 =	sshll.u32 s5, $0x4;
	s9 =	smul.u32 $0x13C000, s5  }
0x7: {  	s5 =	ssub.s32 $0x2, s5;
	s29 =	smul.u32 $0x4F000, s0;
	s2 =	sor.u32 s0, s2  }
0x8: {  	s31 =	sshll.u32 s0, $0x6;
	s11 =	sshrl.u32 s5, $0x1;
	s7 =	smul.u32 $0x2800, s2  }
0x9: {  	s2 =	rddreg [dreg:$0x3];
	_ =	strace $0x8000004A;
	s28 =	sshrl.u32 s8, $0x3  }
0xa: {  	s8 =	sadd.s32 s8, s9;
	s11 =	ssub.s32 s5, s11;
	s30 =	sshrl.u32 s29, $0x2  }
0xb: {  	s8 =	sshrl.u32 s8, $0x3;
	s13 =	sadd.s32 s30, s3;
	s7 =	sshrl.u32 s7, $0x3  }
0xc: {  	s12 =	sadd.s32 s8, s6;
	s10 =	sadd.s32 s7, s6;
	s7 =	sadd.s32 s28, s6  }
0xd: {  	s6 =	sor.u32 $0x1C02, s31;
	s9 =	sadd.s32 $0x8E200, s12;
	s12 =	simm.s32 $0x2  }
0xe: {  	s5 =	sadd.s32 $0x17800, s7;
	s7 =	sadd.s32 $0x3800, s10;
	s8 =	sadd.s32 $0xD800, s10  }
0xf: {  	s10 =	smax.u32 s11, $0x1;
	s11 =	sshrl.u32 s13, $0x3;
	s13 =	simm.s32 $0x2800  }
.LBB2_1:
0x10: {  	[spmem:s11], [sflag:s6] =	dma.local [hbm:s5], $0x2780  }
0x11: {  	_ =	swait.ge [sflag:s12], $0x2780  }
0x12: {  	[sflag:s12] =	ssyncset.done $0x0  }
0x13: {  	[sflag:s12] =	ssyncadd.s32 $0xFFFFD880  }
0x14: {  	[tilespmem:s4], [sflag:$0x2] =	stream.linear.gather [hbm4b:s7+s4], $0x2800, $0x38;
	[tilespmem:$0x1CC00] =	vst v63  }
0x15: {  	_ =	swait.ge [sflag:s12], $0x2800  }
0x16: {  	[sflag:s12] =	ssyncset.done $0x0  }
0x17: {  	[sflag:s12] =	ssyncadd.s32 $0xFFFFD800  }
0x18: {  	[tilespmem:s13], [sflag:$0x2] =	stream.linear.gather [hbm4b:s8+s4], $0x2800, $0x38;
	[tilespmem:$0x1CC00] =	vst v63  }
0x19: {  	_ =	swait.ge [sflag:s12], $0x2800  }
0x1a: {  	[sflag:s12] =	ssyncset.done $0x0  }
0x1b: {  	[sflag:s12] =	ssyncadd.s32 $0xFFFFD800  }
0x1c: {  	s18 =	simm.s32 $0x0;
	[bflag:$0x0] =	sbarrier.arrive $0xFFFF  }
0x1d: {  	[tilespmem:s15], [sflag:$0x1] =	stream.indirect.gather [hbm4b:s1+s14], $0x80, s18, s14, $0xb8;
	[tilespmem:$0x1CC00] =	vst v63  }
0x1e: {  	_ =	swait.ge [sflag:s16], $0x4000  }
0x1f: {  	[sflag:s16] =	ssyncset.done $0x0  }
0x20: {  	s29 =	simm.s32 $0x2800;
	[sflag:s16] =	ssyncadd.s32 $0xFFFFC000  }
0x21: {  	[spmem:s3] =	stream.indirect.scatter.add.f32 [tilespmem:s15], [sflag:$0x2], $0x80, s29, s14, $0xb8;
	[tilespmem:$0x1CC00] =	vst v63  }
0x22: {  	_ =	swait.ge [sflag:s12], $0x4000  }
0x23: {  	[sflag:s12] =	ssyncset.done $0x0  }
0x24: {  	s30 =	simm.s32 $0x80;
	[sflag:s12] =	ssyncadd.s32 $0xFFFFC000  }
0x25: {  	[tilespmem:s15], [sflag:$0x1] =	stream.indirect.gather [hbm4b:s1+s14], $0x80, s30, s14, $0xb8;
	[tilespmem:$0x1CC00] =	vst v63  }
0x26: {  	_ =	swait.ge [sflag:s16], $0x4000  }
0x27: {  	[sflag:s16] =	ssyncset.done $0x0  }
0x28: {  	s31 =	simm.s32 $0x2880;
	[sflag:s16] =	ssyncadd.s32 $0xFFFFC000  }
0x29: {  	[spmem:s3] =	stream.indirect.scatter.add.f32 [tilespmem:s15], [sflag:$0x2], $0x80, s31, s14, $0xb8;
	[tilespmem:$0x1CC00] =	vst v63  }
0x2a: {  	_ =	swait.ge [sflag:s12], $0x4000  }
0x2b: {  	s19 =	simm.s32 $0x800;
	s18 =	simm.s32 $0x400;
	[sflag:s12] =	ssyncset.done $0x0  }
.LBB2_2:
0x2c: {  	s20 =	sshra.s32 s18, $0x2  }
0x2d: {  	[sflag:s12] =	ssyncadd.s32 $0xFFFFC000;
	s18 =	smov.u32 s19;
	s21 =	sadd.s32 $0x400, s19  }
0x2e: {  	[tilespmem:s15], [sflag:$0x1] =	stream.indirect.gather [hbm4b:s1+s14], $0x80, s20, s14, $0xb8;
	[tilespmem:$0x1CC00] =	vst v63  }
0x2f: {  	p0 =	sne.s32 s19, $0x9C00;
	_ =	swait.ge [sflag:s16], $0x4000  }
0x30: {  	[sflag:s16] =	ssyncset.done $0x0  }
0x31: {  	s19 =	sadd.s32 $0x2800, s20;
	[sflag:s16] =	ssyncadd.s32 $0xFFFFC000  }
0x32: {  	[spmem:s3] =	stream.indirect.scatter.add.f32 [tilespmem:s15], [sflag:$0x2], $0x80, s19, s14, $0xb8;
	[tilespmem:$0x1CC00] =	vst v63  }
0x33: {  	_ =	swait.ge [sflag:s12], $0x4000  }
0x34: {  	[sflag:s12] =	ssyncset.done $0x0  }
0x35: {  	s19 =	sadd.s32 $0x80, s20;
	[sflag:s12] =	ssyncadd.s32 $0xFFFFC000  }
0x36: {  	[tilespmem:s15], [sflag:$0x1] =	stream.indirect.gather [hbm4b:s1+s14], $0x80, s19, s14, $0xb8;
	[tilespmem:$0x1CC00] =	vst v63  }
0x37: {  	_ =	swait.ge [sflag:s16], $0x4000  }
.Ltmp0:
0x38: {  	[sflag:s16] =	ssyncset.done $0x0;
	(pc) =	sbr.rel @p0 .LBB2_2-.Ltmp0, $4  }
0x39: {  	s19 =	sadd.s32 $0x2880, s20;
	[sflag:s16] =	ssyncadd.s32 $0xFFFFC000  }
0x3a: {  	[spmem:s3] =	stream.indirect.scatter.add.f32 [tilespmem:s15], [sflag:$0x2], $0x80, s19, s14, $0xb8;
	[tilespmem:$0x1CC00] =	vst v63  }
0x3b: {  	_ =	swait.ge [sflag:s12], $0x4000  }
0x3c: {  	s19 =	smov.u32 s21;
	[sflag:s12] =	ssyncset.done $0x0  }
0x3d: {  	s18 =	sshra.s32 s18, $0x2;
	[sflag:s12] =	ssyncadd.s32 $0xFFFFC000  }
0x3e: {  	[tilespmem:s15], [sflag:$0x1] =	stream.indirect.gather [hbm4b:s1+s14], $0x80, s18, s14, $0xb8;
	[tilespmem:$0x1CC00] =	vst v63  }
0x3f: {  	_ =	swait.ge [sflag:s16], $0x4000  }
0x40: {  	[sflag:s16] =	ssyncset.done $0x0  }
0x41: {  	s19 =	sadd.s32 $0x2800, s18;
	[sflag:s16] =	ssyncadd.s32 $0xFFFFC000  }
0x42: {  	[spmem:s3] =	stream.indirect.scatter.add.f32 [tilespmem:s15], [sflag:$0x2], $0x80, s19, s14, $0xb8;
	[tilespmem:$0x1CC00] =	vst v63  }
0x43: {  	_ =	swait.ge [sflag:s12], $0x4000  }
0x44: {  	[sflag:s12] =	ssyncset.done $0x0  }
0x45: {  	s31 =	sadd.s32 $0x80, s18;
	[sflag:s12] =	ssyncadd.s32 $0xFFFFC000  }
0x46: {  	[tilespmem:s15], [sflag:$0x1] =	stream.indirect.gather [hbm4b:s1+s14], $0x80, s31, s14, $0xb8;
	[tilespmem:$0x1CC00] =	vst v63  }
0x47: {  	_ =	swait.ge [sflag:s16], $0x4000  }
0x48: {  	[sflag:s16] =	ssyncset.done $0x0  }
0x49: {  	s18 =	sadd.s32 $0x2880, s18;
	[sflag:s16] =	ssyncadd.s32 $0xFFFFC000  }
0x4a: {  	[spmem:s3] =	stream.indirect.scatter.add.f32 [tilespmem:s15], [sflag:$0x2], $0x80, s18, s14, $0xb8;
	[tilespmem:$0x1CC00] =	vst v63  }
0x4b: {  	_ =	swait.ge [sflag:s12], $0x4000  }
0x4c: {  	s17 =	sadd.s32 $0x1, s17;
	[sflag:s12] =	ssyncset.done $0x0  }
0x4d: {  	p0 =	sne.s32 s17, s10;
	[sflag:s12] =	ssyncadd.s32 $0xFFFFC000  }
.Ltmp1:
0x4e: {  	[bflag:$0x0] =	sbarrier.arrive $0xFFFF;
	(pc) =	sbr.rel @p0 .LBB2_1-.Ltmp1, $4  }
0x4f: {  	[hbm:s9], [sflag:s6] =	dma.local [spmem:s11], $0x2780  }
0x50: {  	_ =	swait.ge [sflag:s12], $0x2780  }
0x51: {  	[sflag:s12] =	ssyncset.done $0x0  }
0x52: {  	[sflag:s12] =	ssyncadd.s32 $0xFFFFD880  }
0x53: {  	_ =	sfence.sel $0x180000  }
0x54: {  	[bflag:$0x0] =	sbarrier.arrive $0xFFFF  }
0x55: {  	p0 =	sne.s32 s0, $0x0;
	_ =	strace $0x9000004A  }
0x56: {  	s0 =	sadd.s32 @!p0 $0x100000, s2;
	[bflag:$0x2] =	sbarrier.arrive $0xFFFF  }
0x57: {  	[sflag:s0] =	ssyncadd.tile.s32 @!p0 $0x1;
	_ =	shalt  }
.Lfunc_end2:
_tile_overlayer_lowered:
.L_overlay_start_2:
0x58: {  	(tag) =	ssettag $0x2  }
0x59: {  	s0 =	rddreg [dreg:$0x0];
	s2 =	stileid.u32  }
0x5a: {  	s1 =	rddreg [dreg:$0x1];
	p0 =	sne.s32 s2, $0x0  }
0x5b: {  	s3 =	rddreg [dreg:$0x2];
	[bflag:$0x3] =	sbarrier.arrive $0xFFFF;
	s2 =	simm.s32 @!p0 $0x1C02  }
0x5c: {  	[timem:s3], [sflag:s2] =	dma.local @!p0 [hbm:s0], s1  }
0x5d: {  	s0 =	simm.s32 @!p0 $0x2  }
0x5e: {  	_ =	swait.ge @!p0 [sflag:s0], s1  }
0x5f: {  	s1 =	ssub.s32 @!p0 $0x0, s1;
	[sflag:s0] =	ssyncset.done @!p0 $0x0  }
0x60: {  	[sflag:s0] =	ssyncadd.s32 @!p0 s1  }
0x61: {  	[bflag:$0x3] =	sbarrier.arrive $0xFFFF  }
0x62: {  	_ =	shalt  }

</sc_bundles>
